<compile_context>
chip_gen: v7x
topology: tpu7x:2x2x1
jax: 0.10.2.dev20260603
libtpu: 0.0.44.dev20260713+nightly
codegen_flags: <defaults>
</compile_context>

<pallas_src>
import functools
import math

import jax
import jax.numpy as jnp
from jax import lax
from jax.experimental import pallas as pl
from jax.experimental.pallas import tpu as pltpu
from jax.experimental.pallas import tpu_sc as plsc

HIDDEN = 512
NUM_HEADS = 8
HEAD_DIM = 64
TOPN = 100
TOPK = 10
DECAY = 0.8
NPAD = 128
ROWS = 1024
F32 = jnp.float32
NEG = float("-inf")
BIG = 2**30
PREC = lax.Precision.HIGHEST


def _mT(x, w):
    return lax.dot_general(x, w, (((1,), (1,)), ((), ())),
                           preferred_element_type=F32, precision=PREC)


def _mm(x, w):
    return lax.dot_general(x, w, (((1,), (0,)), ((), ())),
                           preferred_element_type=F32, precision=PREC)


def _mTd(x, w):
    return lax.dot_general(x, w, (((1,), (1,)), ((), ())),
                           preferred_element_type=F32)


NSEG = 8
SEGR = ROWS // NSEG


def _topk_body(xin_ref, ids_ref):
    lane = lax.broadcasted_iota(jnp.int32, (1, 128), 1)
    lane8 = lax.broadcasted_iota(jnp.int32, (NSEG, 128), 1)
    seg8 = lax.broadcasted_iota(jnp.int32, (NSEG, 128), 0)
    rowseg = lax.broadcasted_iota(jnp.int32, (SEGR, 128), 0)

    def seg_stats(seg, base_row, lv, lr):
        rowg = rowseg + base_row
        live = (seg < lv) | ((seg == lv) & (rowg > lr))
        segm = jnp.where(live, seg, NEG)
        m = jnp.max(segm, axis=0, keepdims=True)
        rows = jnp.where(segm == m, rowg, BIG)
        r = jnp.min(rows, axis=0, keepdims=True)
        return m, r

    INF = float("inf")
    segmax = jnp.full((NSEG, 128), NEG, F32)
    segrow = jnp.zeros((NSEG, 128), jnp.int32)
    for s in range(NSEG):
        m, r = seg_stats(xin_ref[s], s * SEGR,
                         jnp.full((1, 128), INF, F32),
                         jnp.full((1, 128), -1, jnp.int32))
        segmax = jnp.where(seg8 == s, m, segmax)
        segrow = jnp.where(seg8 == s, r, segrow)

    lastv = jnp.full((NSEG, 128), INF, F32)
    lastr = jnp.full((NSEG, 128), -1, jnp.int32)

    def body(k, carry):
        segmax, segrow, lastv, lastr, ids = carry
        m = jnp.max(segmax)
        flat = jnp.min(jnp.where(segmax == m, segrow * 128 + lane8, BIG))
        ids = jnp.where(lane == k, flat, ids)
        s = flat // (SEGR * 128)
        hitcol = (seg8 == s) & (lane8 == flat % 128)
        lastv = jnp.where(hitcol, m, lastv)
        lastr = jnp.where(hitcol, flat // 128, lastr)
        seg = xin_ref[pl.ds(s, 1)].reshape(SEGR, 128)
        lv = jnp.max(jnp.where(seg8 == s, lastv, NEG), axis=0, keepdims=True)
        lr = jnp.max(jnp.where(seg8 == s, lastr, -BIG), axis=0, keepdims=True)
        nm, nr = seg_stats(seg, s * SEGR, lv, lr)
        segmax = jnp.where(seg8 == s, nm, segmax)
        segrow = jnp.where(seg8 == s, nr, segrow)
        return (segmax, segrow, lastv, lastr, ids)

    _, _, _, _, ids = lax.fori_loop(
        0, TOPN, body,
        (segmax, segrow, lastv, lastr, jnp.zeros((1, 128), jnp.int32)))
    ids_ref[...] = ids


def _topk100(padded_scores):
    return pl.pallas_call(
        _topk_body,
        out_shape=jax.ShapeDtypeStruct((1, 128), jnp.int32),
        in_specs=[pl.BlockSpec(memory_space=pltpu.VMEM)],
        out_specs=pl.BlockSpec(memory_space=pltpu.VMEM),
    )(padded_scores)


_SC_WORKERS = 16
_ROWS_PER_W = NPAD // _SC_WORKERS


@functools.lru_cache(maxsize=1)
def _build_sc_gather():
    @functools.partial(
        pl.kernel,
        mesh=plsc.VectorSubcoreMesh(core_axis_name="c", subcore_axis_name="s"),
        out_type=jax.ShapeDtypeStruct((NPAD, HIDDEN), F32),
        scratch_types=[
            pltpu.VMEM((_ROWS_PER_W,), jnp.int32),
            pltpu.VMEM((_ROWS_PER_W, HIDDEN), F32),
            pltpu.SemaphoreType.DMA,
        ],
    )
    def _sc_gather(docs_hbm, ids_hbm, out_hbm, idx_v, rows_v, sem):
        wid = lax.axis_index("s") * 2 + lax.axis_index("c")

        @pl.when(wid < _SC_WORKERS)
        def _():
            base = wid * _ROWS_PER_W
            pltpu.sync_copy(ids_hbm.at[pl.ds(base, _ROWS_PER_W)], idx_v)
            pltpu.async_copy(docs_hbm.at[idx_v], rows_v, sem).wait()
            pltpu.sync_copy(rows_v, out_hbm.at[pl.ds(base, _ROWS_PER_W)])

    return _sc_gather


def _dense_body(emb_ref, q_ref, Wq_ref, bq_ref, Wk_ref, bk_ref, Wv_ref,
                bv_ref, Wo_ref, bo_ref, W1_ref, b1_ref, W2p_ref, b2_ref,
                ids_ref, rel_ref, tks_ref, tki_ref,
                K_ref, V_ref, AQ_ref, CC_ref):
    query = q_ref[...]
    emb = emb_ref[...]
    Wq = Wq_ref[...]
    Wo = Wo_ref[...]
    bq = bq_ref[...]
    bo = bo_ref[...]
    K_ref[...] = _mTd(emb, Wk_ref[...]) + bk_ref[...]
    V_ref[...] = _mTd(emb, Wv_ref[...]) + bv_ref[...]

    pp = lax.broadcasted_iota(jnp.int32, (HIDDEN, NUM_HEADS), 0) // HEAD_DIM
    hh = lax.broadcasted_iota(jnp.int32, (HIDDEN, NUM_HEADS), 1)
    S = (pp == hh).astype(F32)

    inv_sqrt = 1.0 / math.sqrt(HEAD_DIM)
    AQ_ref[...] = jnp.zeros((NPAD, HIDDEN), F32)
    CC_ref[...] = jnp.zeros((NPAD, HIDDEN), F32)

    def body(i, ctx):
        aq = query + ctx * 0.5
        AQ_ref[pl.ds(i, 1), :] = aq
        Q = _mTd(aq, Wq) + bq
        t = Q * K_ref[pl.ds(i, 1), :]
        att = _mm(t, S) * inv_sqrt
        e = jnp.exp(att - jnp.max(att))
        w = e / jnp.sum(e)
        wexp = _mT(w, S)
        cc = wexp * V_ref[pl.ds(i, 1), :]
        CC_ref[pl.ds(i, 1), :] = cc
        final = _mTd(cc, Wo) + bo
        return DECAY * ctx + (1.0 - DECAY) * final

    lax.fori_loop(0, TOPN, body, jnp.zeros((1, HIDDEN), F32))

    AQ = AQ_ref[...]
    CC = CC_ref[...]
    W1 = W1_ref[...]
    hid_in = (_mTd(AQ, W1[:, :HIDDEN]) + _mTd(CC, W1[:, HIDDEN:])
              + b1_ref[...])
    hid = jax.nn.gelu(hid_in)
    b2s = b2_ref[0, 0]
    logit = _mT(hid, W2p_ref[...]) + b2s
    rel = jax.nn.sigmoid(logit)
    rel_ref[...] = rel

    rowi = lax.broadcasted_iota(jnp.int32, (NPAD, 128), 0)
    lanei = lax.broadcasted_iota(jnp.int32, (NPAD, 128), 1)
    relm = jnp.where((rowi < TOPN) & (lanei == 0), rel, NEG)
    lane_r = lax.broadcasted_iota(jnp.int32, (1, 128), 1)
    ids_row = ids_ref[...]

    def tk(k, carry):
        relm, tks, tki = carry
        m = jnp.max(relm)
        pos = jnp.min(jnp.where(relm == m, rowi, BIG))
        idv = jnp.max(jnp.where(lane_r == pos, ids_row, -1))
        tks = jnp.where(lane_r == k, m, tks)
        tki = jnp.where(lane_r == k, idv, tki)
        relm = jnp.where((rowi == pos) & (lanei == 0), NEG, relm)
        return relm, tks, tki

    _, tks, tki = lax.fori_loop(
        0, TOPK, tk,
        (relm, jnp.zeros((1, 128), F32), jnp.zeros((1, 128), jnp.int32)))
    tks_ref[...] = tks
    tki_ref[...] = tki


def _dense(emb, query, Wq, bq, Wk, bk, Wv, bv, Wo, bo, W1, b1, W2p, b2,
           ids_row):
    vm = pl.BlockSpec(memory_space=pltpu.VMEM)
    sm = pl.BlockSpec(memory_space=pltpu.SMEM)
    return pl.pallas_call(
        _dense_body,
        out_shape=(
            jax.ShapeDtypeStruct((NPAD, 128), F32),
            jax.ShapeDtypeStruct((1, 128), F32),
            jax.ShapeDtypeStruct((1, 128), jnp.int32),
        ),
        in_specs=[vm] * 13 + [sm, vm],
        out_specs=(vm, vm, vm),
        scratch_shapes=[
            pltpu.VMEM((NPAD, HIDDEN), F32),
            pltpu.VMEM((NPAD, HIDDEN), F32),
            pltpu.VMEM((NPAD, HIDDEN), F32),
            pltpu.VMEM((NPAD, HIDDEN), F32),
        ],
    )(emb, query, Wq, bq, Wk, bk, Wv, bv, Wo, bo, W1, b1, W2p, b2, ids_row)


def kernel(query_embedding, doc_embeddings, candidate_scores,
           Wq, bq, Wk, bk, Wv, bv, Wo, bo, W1, b1, W2, b2):
    n = candidate_scores.shape[0]
    pad = ROWS * 128 - n
    padded = jnp.concatenate(
        [candidate_scores, jnp.full((pad,), NEG, F32)]).reshape(NSEG, SEGR, 128)
    ids_row = _topk100(padded)
    cand = _build_sc_gather()(doc_embeddings, ids_row.reshape(NPAD))
    W2p = jnp.concatenate([W2, jnp.zeros((127, HIDDEN), F32)], axis=0)
    rel_full, tks_row, tki_row = _dense(
        cand, query_embedding, Wq, bq.reshape(1, -1), Wk, bk.reshape(1, -1),
        Wv, bv.reshape(1, -1), Wo, bo.reshape(1, -1), W1, b1.reshape(1, -1),
        W2p, b2.reshape(1, 1), ids_row)
    return (rel_full[:TOPN, 0], tks_row[0, :TOPK], tki_row[0, :TOPK])

# --- scband reference (transcript-rebuilt; emitter-appended) ---
"""Pipeline reference for scband-advanced-zipper-query-engine-45122926412225 (READ-ONLY COPY).

The authoritative reference and input builder live on the scoring server;
editing this copy changes nothing except your own understanding.
"""

import jax, jax.numpy as jnp
import numpy as np
import math

HIDDEN = 512
NUM_HEADS = 8
HEAD_DIM = HIDDEN // NUM_HEADS
SPARSE_TOP_N = 100
TOP_K = 10
DECAY = 0.8
N_DOCS = 100000


def setup_inputs(seed: int = 0) -> dict:
    key = jax.random.key(seed)
    ks = jax.random.split(key, 16)

    def lin(k, out_dim, in_dim):
        return jax.random.normal(k, (out_dim, in_dim), dtype=jnp.float32) * 0.02

    return {
        "query_embedding": jax.random.normal(ks[0], (1, HIDDEN), dtype=jnp.float32),
        "doc_embeddings": jax.random.normal(ks[1], (N_DOCS, HIDDEN), dtype=jnp.float32),
        "candidate_scores": jax.random.normal(ks[2], (N_DOCS,), dtype=jnp.float32),
        "Wq": lin(ks[3], HIDDEN, HIDDEN), "bq": jnp.zeros((HIDDEN,), jnp.float32),
        "Wk": lin(ks[4], HIDDEN, HIDDEN), "bk": jnp.zeros((HIDDEN,), jnp.float32),
        "Wv": lin(ks[5], HIDDEN, HIDDEN), "bv": jnp.zeros((HIDDEN,), jnp.float32),
        "Wo": lin(ks[6], HIDDEN, HIDDEN), "bo": jnp.zeros((HIDDEN,), jnp.float32),
        "W1": lin(ks[7], HIDDEN, 2 * HIDDEN), "b1": jnp.zeros((HIDDEN,), jnp.float32),
        "W2": lin(ks[8], 1, HIDDEN), "b2": jnp.zeros((1,), jnp.float32),
    }


def reference(query_embedding, doc_embeddings, candidate_scores,
              Wq, bq, Wk, bk, Wv, bv, Wo, bo, W1, b1, W2, b2):
    # sparse candidate recall (stand-in for BM25 scores): top sparse_top_n candidates
    _, candidate_ids = jax.lax.top_k(candidate_scores, SPARSE_TOP_N)
    # gather candidate block embeddings from the dense index (SparseCore gather)
    cand_emb = jnp.take(doc_embeddings, candidate_ids, axis=0)  # [SPARSE_TOP_N, HIDDEN]

    def step(context, block):
        block = block[None, :]                                    # [1, HIDDEN]
        adaptive_query = query_embedding + context * 0.5          # [1, HIDDEN]
        Q = (adaptive_query @ Wq.T + bq).reshape(1, NUM_HEADS, HEAD_DIM)
        K = (block @ Wk.T + bk).reshape(1, NUM_HEADS, HEAD_DIM)
        V = (block @ Wv.T + bv).reshape(1, NUM_HEADS, HEAD_DIM)
        att = jnp.einsum('bhd,bhd->bh', Q, K) / math.sqrt(HEAD_DIM)
        w = jax.nn.softmax(att, axis=-1)
        weighted_v = jnp.einsum('bh,bhd->bhd', w, V)
        ctx_contrib = weighted_v.reshape(1, HIDDEN)
        combined = jnp.concatenate([adaptive_query, ctx_contrib], axis=-1)  # [1, 2*HIDDEN]
        h = jax.nn.gelu(combined @ W1.T + b1)
        rel = jax.nn.sigmoid(h @ W2.T + b2).reshape(())
        final = ctx_contrib @ Wo.T + bo
        new_context = DECAY * context + (1.0 - DECAY) * final
        return new_context, rel

    ctx0 = jnp.zeros_like(query_embedding)
    _, rel_scores = jax.lax.scan(step, ctx0, cand_emb)            # [SPARSE_TOP_N]
    topk_scores, topk_local = jax.lax.top_k(rel_scores, TOP_K)
    topk_ids = jnp.take(candidate_ids, topk_local)
    return (rel_scores, topk_scores, topk_ids)

if __name__ == "__main__":
    import jax
    _d = setup_inputs()
    print(jax.jit(kernel)(*tuple(_d.values())))

</pallas_src>

<mosaic_0001>
#map = affine_map<(d0, d1) -> (0, 0)>
#map1 = affine_map<(d0, d1) -> (0)>
module attributes {stable_mosaic.version = 14 : i64} {
  func.func @_sc_gather(%arg0: i32, %arg1: i32, %arg2: memref<100000x512xf32, #tpu.memory_space<hbm>>, %arg3: memref<128xi32, #tpu.memory_space<hbm>>, %arg4: memref<128x512xf32, #tpu.memory_space<hbm>>, %arg5: memref<8xi32, #tpu.memory_space<vmem>>, %arg6: memref<8x512xf32, #tpu.memory_space<vmem>>, %arg7: memref<!tpu.dma_semaphore, #tpu.memory_space<semaphore_mem>>) attributes {dimension_semantics = [#tpu.dimension_semantics<core_parallel>, #tpu.dimension_semantics<subcore_parallel>], iteration_bounds = array<i64: 2, 16>, scalar_prefetch = 0 : i64, scratch_operands = 3 : i64, tpu.core_type = #tpu.core_type<sc_vector_subcore>, window_params = [{transform_indices = #map}, {transform_indices = #map1}, {transform_indices = #map}]} {
    %mul3A = arith.constant 2 : i32
    %mul3A_0 = arith.muli %arg1, %mul3A : i32
    %add3A = arith.addi %mul3A_0, %arg0 : i32
    %lt3A = arith.constant 16 : i32
    %lt3A_1 = arith.cmpi slt, %add3A, %lt3A : i32
    %convert_element_type3A = arith.extui %lt3A_1 : i1 to i32
    %cond3A = arith.constant 0 : i32
    %cond3A_2 = arith.cmpi ne, %convert_element_type3A, %cond3A : i32
    scf.if %cond3A_2 {
      %mul3A_3 = arith.constant 8 : i32
      %mul3A_4 = arith.muli %add3A, %mul3A_3 : i32
      "tpu.region"() ({
        %run_scoped3A = tpu.sem_alloc : memref<!tpu.dma_semaphore, #tpu.memory_space<semaphore_mem>>
        %dma_start3A_9 = tpu.memref_slice %arg3[%mul3A_4] : memref<128xi32, #tpu.memory_space<hbm>> -> memref<8xi32, #tpu.memory_space<hbm>>
        %dma_start3A_10 = tpu.memref_slice %arg3[%mul3A_4] : memref<128xi32, #tpu.memory_space<hbm>> -> memref<8xi32, #tpu.memory_space<hbm>>
        tpu.enqueue_dma source(%dma_start3A_10 : memref<8xi32, #tpu.memory_space<hbm>>) target(%arg5 : memref<8xi32, #tpu.memory_space<vmem>>) target_semaphore(%run_scoped3A : memref<!tpu.dma_semaphore, #tpu.memory_space<semaphore_mem>>)
        %dma_wait3A_11 = tpu.memref_slice %arg3[%mul3A_4] : memref<128xi32, #tpu.memory_space<hbm>> -> memref<8xi32, #tpu.memory_space<hbm>>
        %dma_wait3A_12 = tpu.memref_slice %arg3[%mul3A_4] : memref<128xi32, #tpu.memory_space<hbm>> -> memref<8xi32, #tpu.memory_space<hbm>>
        tpu.wait_dma2 semaphore(%run_scoped3A : memref<!tpu.dma_semaphore, #tpu.memory_space<semaphore_mem>>) src(%dma_wait3A_12 : memref<8xi32, #tpu.memory_space<hbm>>) dst(%arg5 : memref<8xi32, #tpu.memory_space<vmem>>)
        tpu.yield
      }) : () -> ()
      %dma_start3A = arith.constant 0 : i32
      %dma_start3A_5 = arith.constant 0 : i32
      %dma_start3A_6 = tpu.memref_slice %arg2[%dma_start3A, %dma_start3A_5] : memref<100000x512xf32, #tpu.memory_space<hbm>> -> memref<100000x512xf32, #tpu.memory_space<hbm>>
      tpu.enqueue_indirect_dma source(%dma_start3A_6 : memref<100000x512xf32, #tpu.memory_space<hbm>>) target(%arg6 : memref<8x512xf32, #tpu.memory_space<vmem>>) offsets(%arg5 : memref<8xi32, #tpu.memory_space<vmem>>) semaphore(%arg7 : memref<!tpu.dma_semaphore, #tpu.memory_space<semaphore_mem>>)
      %dma_wait3A = arith.constant 0 : i32
      %dma_wait3A_7 = arith.constant 0 : i32
      %dma_wait3A_8 = tpu.memref_slice %arg2[%dma_wait3A, %dma_wait3A_7] : memref<100000x512xf32, #tpu.memory_space<hbm>> -> memref<100000x512xf32, #tpu.memory_space<hbm>>
      tpu.wait_indirect_dma semaphore(%arg7 : memref<!tpu.dma_semaphore, #tpu.memory_space<semaphore_mem>>) src(%dma_wait3A_8 : memref<100000x512xf32, #tpu.memory_space<hbm>>) dst(%arg6 : memref<8x512xf32, #tpu.memory_space<vmem>>)
      "tpu.region"() ({
        %run_scoped3A = tpu.sem_alloc : memref<!tpu.dma_semaphore, #tpu.memory_space<semaphore_mem>>
        %dma_start3A_9 = arith.constant 0 : i32
        %dma_start3A_10 = tpu.memref_slice %arg4[%mul3A_4, %dma_start3A_9] : memref<128x512xf32, #tpu.memory_space<hbm>> -> memref<8x512xf32, #tpu.memory_space<hbm>>
        %dma_start3A_11 = arith.constant 0 : i32
        %dma_start3A_12 = tpu.memref_slice %arg4[%mul3A_4, %dma_start3A_11] : memref<128x512xf32, #tpu.memory_space<hbm>> -> memref<8x512xf32, #tpu.memory_space<hbm>>
        tpu.enqueue_dma source(%arg6 : memref<8x512xf32, #tpu.memory_space<vmem>>) target(%dma_start3A_12 : memref<8x512xf32, #tpu.memory_space<hbm>>) target_semaphore(%run_scoped3A : memref<!tpu.dma_semaphore, #tpu.memory_space<semaphore_mem>>)
        %dma_wait3A_13 = arith.constant 0 : i32
        %dma_wait3A_14 = tpu.memref_slice %arg4[%mul3A_4, %dma_wait3A_13] : memref<128x512xf32, #tpu.memory_space<hbm>> -> memref<8x512xf32, #tpu.memory_space<hbm>>
        %dma_wait3A_15 = arith.constant 0 : i32
        %dma_wait3A_16 = tpu.memref_slice %arg4[%mul3A_4, %dma_wait3A_15] : memref<128x512xf32, #tpu.memory_space<hbm>> -> memref<8x512xf32, #tpu.memory_space<hbm>>
        tpu.wait_dma2 semaphore(%run_scoped3A : memref<!tpu.dma_semaphore, #tpu.memory_space<semaphore_mem>>) src(%arg6 : memref<8x512xf32, #tpu.memory_space<vmem>>) dst(%dma_wait3A_16 : memref<8x512xf32, #tpu.memory_space<hbm>>)
        tpu.yield
      }) : () -> ()
    } else {
    }
    return
  }
}

module attributes {stable_mosaic.version = 14 : i64} {
  func.func @_dense_body(%arg0: memref<128x512xf32, #tpu.memory_space<vmem>>, %arg1: memref<1x512xf32, #tpu.memory_space<vmem>>, %arg2: memref<512x512xf32, #tpu.memory_space<vmem>>, %arg3: memref<1x512xf32, #tpu.memory_space<vmem>>, %arg4: memref<512x512xf32, #tpu.memory_space<vmem>>, %arg5: memref<1x512xf32, #tpu.memory_space<vmem>>, %arg6: memref<512x512xf32, #tpu.memory_space<vmem>>, %arg7: memref<1x512xf32, #tpu.memory_space<vmem>>, %arg8: memref<512x512xf32, #tpu.memory_space<vmem>>, %arg9: memref<1x512xf32, #tpu.memory_space<vmem>>, %arg10: memref<512x1024xf32, #tpu.memory_space<vmem>>, %arg11: memref<1x512xf32, #tpu.memory_space<vmem>>, %arg12: memref<128x512xf32, #tpu.memory_space<vmem>>, %arg13: memref<1x1xf32, #tpu.memory_space<smem>>, %arg14: memref<1x128xi32, #tpu.memory_space<vmem>>, %arg15: memref<128x128xf32, #tpu.memory_space<vmem>>, %arg16: memref<1x128xf32, #tpu.memory_space<vmem>>, %arg17: memref<1x128xi32, #tpu.memory_space<vmem>>, %arg18: memref<128x512xf32, #tpu.memory_space<vmem>>, %arg19: memref<128x512xf32, #tpu.memory_space<vmem>>, %arg20: memref<128x512xf32, #tpu.memory_space<vmem>>, %arg21: memref<128x512xf32, #tpu.memory_space<vmem>>) attributes {dimension_semantics = [], scalar_prefetch = 0 : i64, scratch_operands = 4 : i64, tpu.core_type = #tpu.core_type<tc>} {
    %get3A = arith.constant 0 : index
    %get3A_0 = arith.constant 0 : index
    %get3A_1 = vector.load %arg1[%get3A, %get3A_0] : memref<1x512xf32, #tpu.memory_space<vmem>>, vector<1x512xf32>
    %get3A_2 = arith.constant 0 : index
    %get3A_3 = arith.constant 0 : index
    %get3A_4 = vector.load %arg0[%get3A_2, %get3A_3] : memref<128x512xf32, #tpu.memory_space<vmem>>, vector<128x512xf32>
    %get3A_5 = arith.constant 0 : index
    %get3A_6 = arith.constant 0 : index
    %get3A_7 = vector.load %arg2[%get3A_5, %get3A_6] : memref<512x512xf32, #tpu.memory_space<vmem>>, vector<512x512xf32>
    %get3A_8 = arith.constant 0 : index
    %get3A_9 = arith.constant 0 : index
    %get3A_10 = vector.load %arg8[%get3A_8, %get3A_9] : memref<512x512xf32, #tpu.memory_space<vmem>>, vector<512x512xf32>
    %get3A_11 = arith.constant 0 : index
    %get3A_12 = arith.constant 0 : index
    %get3A_13 = vector.load %arg3[%get3A_11, %get3A_12] : memref<1x512xf32, #tpu.memory_space<vmem>>, vector<1x512xf32>
    %get3A_14 = arith.constant 0 : index
    %get3A_15 = arith.constant 0 : index
    %get3A_16 = vector.load %arg9[%get3A_14, %get3A_15] : memref<1x512xf32, #tpu.memory_space<vmem>>, vector<1x512xf32>
    %get3A_17 = arith.constant 0 : index
    %get3A_18 = arith.constant 0 : index
    %get3A_19 = vector.load %arg4[%get3A_17, %get3A_18] : memref<512x512xf32, #tpu.memory_space<vmem>>, vector<512x512xf32>
    %dot_general3A = arith.constant dense<0.000000e+00> : vector<128x512xf32>
    %dot_general3A_20 = tpu.matmul %get3A_4, %get3A_19, %dot_general3A {dimension_numbers = #tpu.dot_dimension_numbers<[1], [1], [0], [0], [0, 0, 1, 0], [], []>, transpose_lhs_hint = false} : vector<128x512xf32>, vector<512x512xf32>, vector<128x512xf32> -> vector<128x512xf32>
    %get3A_21 = arith.constant 0 : index
    %get3A_22 = arith.constant 0 : index
    %get3A_23 = vector.load %arg5[%get3A_21, %get3A_22] : memref<1x512xf32, #tpu.memory_space<vmem>>, vector<1x512xf32>
    %add3A = vector.broadcast %get3A_23 : vector<1x512xf32> to vector<128x512xf32>
    %add3A_24 = arith.addf %dot_general3A_20, %add3A : vector<128x512xf32>
    %swap3A = arith.constant 0 : index
    %swap3A_25 = arith.constant 0 : index
    %swap3A_26 = vector.load %arg18[%swap3A, %swap3A_25] : memref<128x512xf32, #tpu.memory_space<vmem>>, vector<128x512xf32>
    tpu.vector_store %arg18[%swap3A, %swap3A_25], %add3A_24 {strides = array<i32>} : memref<128x512xf32, #tpu.memory_space<vmem>>, vector<128x512xf32>,
    %get3A_27 = arith.constant 0 : index
    %get3A_28 = arith.constant 0 : index
    %get3A_29 = vector.load %arg6[%get3A_27, %get3A_28] : memref<512x512xf32, #tpu.memory_space<vmem>>, vector<512x512xf32>
    %dot_general3A_30 = arith.constant dense<0.000000e+00> : vector<128x512xf32>
    %dot_general3A_31 = tpu.matmul %get3A_4, %get3A_29, %dot_general3A_30 {dimension_numbers = #tpu.dot_dimension_numbers<[1], [1], [0], [0], [0, 0, 1, 0], [], []>, transpose_lhs_hint = false} : vector<128x512xf32>, vector<512x512xf32>, vector<128x512xf32> -> vector<128x512xf32>
    %get3A_32 = arith.constant 0 : index
    %get3A_33 = arith.constant 0 : index
    %get3A_34 = vector.load %arg7[%get3A_32, %get3A_33] : memref<1x512xf32, #tpu.memory_space<vmem>>, vector<1x512xf32>
    %add3A_35 = vector.broadcast %get3A_34 : vector<1x512xf32> to vector<128x512xf32>
    %add3A_36 = arith.addf %dot_general3A_31, %add3A_35 : vector<128x512xf32>
    %swap3A_37 = arith.constant 0 : index
    %swap3A_38 = arith.constant 0 : index
    %swap3A_39 = vector.load %arg19[%swap3A_37, %swap3A_38] : memref<128x512xf32, #tpu.memory_space<vmem>>, vector<128x512xf32>
    tpu.vector_store %arg19[%swap3A_37, %swap3A_38], %add3A_36 {strides = array<i32>} : memref<128x512xf32, #tpu.memory_space<vmem>>, vector<128x512xf32>,
    %iota3A = tpu.iota {dimensions = array<i32: 0>} : vector<512x8xi32>
    %jit3A = arith.constant 64 : i32
    %div3A = vector.broadcast %jit3A : i32 to vector<512x8xi32>
    %div3A_40 = arith.divsi %iota3A, %div3A : vector<512x8xi32>
    %sign3A = arith.constant 0 : i32
    %sign3A_41 = vector.broadcast %sign3A : i32 to vector<512x8xi32>
    %sign3A_42 = arith.cmpi sgt, %iota3A, %sign3A_41 : vector<512x8xi32>
    %sign3A_43 = arith.extui %sign3A_42 : vector<512x8xi1> to vector<512x8xi32>
    %sign3A_44 = arith.constant 0 : i32
    %sign3A_45 = vector.broadcast %sign3A_44 : i32 to vector<512x8xi32>
    %sign3A_46 = arith.cmpi slt, %iota3A, %sign3A_45 : vector<512x8xi32>
    %sign3A_47 = arith.extui %sign3A_46 : vector<512x8xi1> to vector<512x8xi32>
    %sign3A_48 = arith.subi %sign3A_43, %sign3A_47 : vector<512x8xi32>
    %sign3A_49 = arith.constant 0 : i32
    %sign3A_50 = arith.cmpi sgt, %jit3A, %sign3A_49 : i32
    %sign3A_51 = arith.extui %sign3A_50 : i1 to i32
    %sign3A_52 = arith.constant 0 : i32
    %sign3A_53 = arith.cmpi slt, %jit3A, %sign3A_52 : i32
    %sign3A_54 = arith.extui %sign3A_53 : i1 to i32
    %sign3A_55 = arith.subi %sign3A_51, %sign3A_54 : i32
    %ne3A = vector.broadcast %sign3A_55 : i32 to vector<512x8xi32>
    %ne3A_56 = arith.cmpi ne, %sign3A_48, %ne3A : vector<512x8xi32>
    %rem3A = vector.broadcast %jit3A : i32 to vector<512x8xi32>
    %rem3A_57 = arith.remsi %iota3A, %rem3A : vector<512x8xi32>
    %ne3A_58 = arith.constant 0 : i32
    %ne3A_59 = vector.broadcast %ne3A_58 : i32 to vector<512x8xi32>
    %ne3A_60 = arith.cmpi ne, %rem3A_57, %ne3A_59 : vector<512x8xi32>
    %and3A = arith.andi %ne3A_56, %ne3A_60 : vector<512x8xi1>
    %sub3A = arith.constant 1 : i32
    %sub3A_61 = vector.broadcast %sub3A : i32 to vector<512x8xi32>
    %sub3A_62 = arith.subi %div3A_40, %sub3A_61 : vector<512x8xi32>
    %select_n3A = arith.select %and3A, %sub3A_62, %div3A_40 : vector<512x8xi1>, vector<512x8xi32>
    %iota3A_63 = tpu.iota {dimensions = array<i32: 1>} : vector<512x8xi32>
    %eq3A = arith.cmpi eq, %select_n3A, %iota3A_63 : vector<512x8xi32>
    %convert_element_type3A = arith.extui %eq3A : vector<512x8xi1> to vector<512x8xi32>
    %convert_element_type3A_64 = arith.sitofp %convert_element_type3A : vector<512x8xi32> to vector<512x8xf32>
    %broadcast_in_dim3A = arith.constant 0.000000e+00 : f32
    %broadcast_in_dim3A_65 = vector.broadcast %broadcast_in_dim3A : f32 to vector<128x512xf32>
    %swap3A_66 = arith.constant 0 : index
    %swap3A_67 = arith.constant 0 : index
    %swap3A_68 = vector.load %arg20[%swap3A_66, %swap3A_67] : memref<128x512xf32, #tpu.memory_space<vmem>>, vector<128x512xf32>
    tpu.vector_store %arg20[%swap3A_66, %swap3A_67], %broadcast_in_dim3A_65 {strides = array<i32>} : memref<128x512xf32, #tpu.memory_space<vmem>>, vector<128x512xf32>,
    %broadcast_in_dim3A_69 = arith.constant 0.000000e+00 : f32
    %broadcast_in_dim3A_70 = vector.broadcast %broadcast_in_dim3A_69 : f32 to vector<128x512xf32>
    %swap3A_71 = arith.constant 0 : index
    %swap3A_72 = arith.constant 0 : index
    %swap3A_73 = vector.load %arg21[%swap3A_71, %swap3A_72] : memref<128x512xf32, #tpu.memory_space<vmem>>, vector<128x512xf32>
    tpu.vector_store %arg21[%swap3A_71, %swap3A_72], %broadcast_in_dim3A_70 {strides = array<i32>} : memref<128x512xf32, #tpu.memory_space<vmem>>, vector<128x512xf32>,
    %broadcast_in_dim3A_74 = arith.constant 0.000000e+00 : f32
    %broadcast_in_dim3A_75 = vector.broadcast %broadcast_in_dim3A_74 : f32 to vector<1x512xf32>
    %scan3A = arith.constant 0 : i32
    %scan3A_76 = arith.constant 100 : i32
    %scan3A_77 = arith.addi %scan3A, %scan3A_76 : i32
    %scan3A_78 = arith.constant 1 : i32
    %scan3A_79 = scf.for %scan3A_164 = %scan3A to %scan3A_77 step %scan3A_78 iter_args(%scan3A_165 = %broadcast_in_dim3A_75) -> (vector<1x512xf32>)  : i32 {
      %mul3A_166 = arith.constant 5.000000e-01 : f32
      %mul3A_167 = vector.broadcast %mul3A_166 : f32 to vector<1x512xf32>
      %mul3A_168 = arith.mulf %scan3A_165, %mul3A_167 : vector<1x512xf32>
      %add3A_169 = arith.addf %get3A_1, %mul3A_168 : vector<1x512xf32>
      %swap3A_170 = arith.index_cast %scan3A_164 : i32 to index
      %swap3A_171 = arith.constant 0 : index
      %swap3A_172 = vector.load %arg20[%swap3A_170, %swap3A_171] : memref<128x512xf32, #tpu.memory_space<vmem>>, vector<1x512xf32>
      tpu.vector_store %arg20[%swap3A_170, %swap3A_171], %add3A_169 {strides = array<i32>} : memref<128x512xf32, #tpu.memory_space<vmem>>, vector<1x512xf32>,
      %dot_general3A_173 = arith.constant dense<0.000000e+00> : vector<1x512xf32>
      %dot_general3A_174 = tpu.matmul %add3A_169, %get3A_7, %dot_general3A_173 {dimension_numbers = #tpu.dot_dimension_numbers<[1], [1], [0], [0], [0, 0, 1, 0], [], []>, transpose_lhs_hint = false} : vector<1x512xf32>, vector<512x512xf32>, vector<1x512xf32> -> vector<1x512xf32>
      %add3A_175 = arith.addf %dot_general3A_174, %get3A_13 : vector<1x512xf32>
      %get3A_176 = arith.index_cast %scan3A_164 : i32 to index
      %get3A_177 = arith.constant 0 : index
      %get3A_178 = vector.load %arg18[%get3A_176, %get3A_177] : memref<128x512xf32, #tpu.memory_space<vmem>>, vector<1x512xf32>
      %mul3A_179 = arith.mulf %add3A_175, %get3A_178 : vector<1x512xf32>
      %dot_general3A_180 = arith.constant dense<0.000000e+00> : vector<1x8xf32>
      %dot_general3A_181 = tpu.matmul %mul3A_179, %convert_element_type3A_64, %dot_general3A_180 {dimension_numbers = #tpu.dot_dimension_numbers<[1], [0], [0], [1], [0, 0, 1, 1], [], []>, precision = #tpu.contract_precision<fp32>, transpose_lhs_hint = false} : vector<1x512xf32>, vector<512x8xf32>, vector<1x8xf32> -> vector<1x8xf32>
      %mul3A_182 = arith.constant 1.250000e-01 : f32
      %mul3A_183 = vector.broadcast %mul3A_182 : f32 to vector<1x8xf32>
      %mul3A_184 = arith.mulf %dot_general3A_181, %mul3A_183 : vector<1x8xf32>
      %reduce_max3A = vector.shape_cast %mul3A_184 : vector<1x8xf32> to vector<1x1x8xf32>
      %reduce_max3A_185 = arith.constant dense<0xFF800000> : vector<1xf32>
      %reduce_max3A_186 = vector.multi_reduction <maximumf>, %reduce_max3A, %reduce_max3A_185 [1, 2] : vector<1x1x8xf32> to vector<1xf32>
      %reduce_max3A_187 = vector.shape_cast %reduce_max3A_186 : vector<1xf32> to vector<1x1x1xf32>
      %reduce_max3A_188 = vector.extract %reduce_max3A_187[0, 0, 0] : f32 from vector<1x1x1xf32>
      %sub3A_189 = vector.broadcast %reduce_max3A_188 : f32 to vector<1x8xf32>
      %sub3A_190 = arith.subf %mul3A_184, %sub3A_189 : vector<1x8xf32>
      %exp3A = math.exp %sub3A_190 : vector<1x8xf32>
      %reduce_sum3A = vector.shape_cast %exp3A : vector<1x8xf32> to vector<1x1x8xf32>
      %reduce_sum3A_191 = arith.constant dense<0.000000e+00> : vector<1xf32>
      %reduce_sum3A_192 = vector.multi_reduction <add>, %reduce_sum3A, %reduce_sum3A_191 [1, 2] : vector<1x1x8xf32> to vector<1xf32>
      %reduce_sum3A_193 = vector.shape_cast %reduce_sum3A_192 : vector<1xf32> to vector<1x1x1xf32>
      %reduce_sum3A_194 = vector.extract %reduce_sum3A_193[0, 0, 0] : f32 from vector<1x1x1xf32>
      %div3A_195 = vector.broadcast %reduce_sum3A_194 : f32 to vector<1x8xf32>
      %div3A_196 = arith.divf %exp3A, %div3A_195 : vector<1x8xf32>
      %dot_general3A_197 = arith.constant dense<0.000000e+00> : vector<1x512xf32>
      %dot_general3A_198 = tpu.matmul %div3A_196, %convert_element_type3A_64, %dot_general3A_197 {dimension_numbers = #tpu.dot_dimension_numbers<[1], [1], [0], [0], [0, 0, 1, 0], [], []>, precision = #tpu.contract_precision<fp32>, transpose_lhs_hint = false} : vector<1x8xf32>, vector<512x8xf32>, vector<1x512xf32> -> vector<1x512xf32>
      %get3A_199 = arith.index_cast %scan3A_164 : i32 to index
      %get3A_200 = arith.constant 0 : index
      %get3A_201 = vector.load %arg19[%get3A_199, %get3A_200] : memref<128x512xf32, #tpu.memory_space<vmem>>, vector<1x512xf32>
      %mul3A_202 = arith.mulf %dot_general3A_198, %get3A_201 : vector<1x512xf32>
      %swap3A_203 = arith.index_cast %scan3A_164 : i32 to index
      %swap3A_204 = arith.constant 0 : index
      %swap3A_205 = vector.load %arg21[%swap3A_203, %swap3A_204] : memref<128x512xf32, #tpu.memory_space<vmem>>, vector<1x512xf32>
      tpu.vector_store %arg21[%swap3A_203, %swap3A_204], %mul3A_202 {strides = array<i32>} : memref<128x512xf32, #tpu.memory_space<vmem>>, vector<1x512xf32>,
      %dot_general3A_206 = arith.constant dense<0.000000e+00> : vector<1x512xf32>
      %dot_general3A_207 = tpu.matmul %mul3A_202, %get3A_10, %dot_general3A_206 {dimension_numbers = #tpu.dot_dimension_numbers<[1], [1], [0], [0], [0, 0, 1, 0], [], []>, transpose_lhs_hint = false} : vector<1x512xf32>, vector<512x512xf32>, vector<1x512xf32> -> vector<1x512xf32>
      %add3A_208 = arith.addf %dot_general3A_207, %get3A_16 : vector<1x512xf32>
      %mul3A_209 = arith.constant 8.000000e-01 : f32
      %mul3A_210 = vector.broadcast %mul3A_209 : f32 to vector<1x512xf32>
      %mul3A_211 = arith.mulf %mul3A_210, %scan3A_165 : vector<1x512xf32>
      %mul3A_212 = arith.constant 2.000000e-01 : f32
      %mul3A_213 = vector.broadcast %mul3A_212 : f32 to vector<1x512xf32>
      %mul3A_214 = arith.mulf %mul3A_213, %add3A_208 : vector<1x512xf32>
      %add3A_215 = arith.addf %mul3A_211, %mul3A_214 : vector<1x512xf32>
      scf.yield %add3A_215 : vector<1x512xf32>
    }
    %scan3A_80 = arith.constant 100 : i32
    %get3A_81 = arith.constant 0 : index
    %get3A_82 = arith.constant 0 : index
    %get3A_83 = vector.load %arg20[%get3A_81, %get3A_82] : memref<128x512xf32, #tpu.memory_space<vmem>>, vector<128x512xf32>
    %get3A_84 = arith.constant 0 : index
    %get3A_85 = arith.constant 0 : index
    %get3A_86 = vector.load %arg21[%get3A_84, %get3A_85] : memref<128x512xf32, #tpu.memory_space<vmem>>, vector<128x512xf32>
    %get3A_87 = arith.constant 0 : index
    %get3A_88 = arith.constant 0 : index
    %get3A_89 = vector.load %arg10[%get3A_87, %get3A_88] : memref<512x1024xf32, #tpu.memory_space<vmem>>, vector<512x1024xf32>
    %slice3A = vector.extract_strided_slice %get3A_89 {offsets = [0, 0], sizes = [512, 512], strides = [1, 1]} : vector<512x1024xf32> to vector<512x512xf32>
    %dot_general3A_90 = arith.constant dense<0.000000e+00> : vector<128x512xf32>
    %dot_general3A_91 = tpu.matmul %get3A_83, %slice3A, %dot_general3A_90 {dimension_numbers = #tpu.dot_dimension_numbers<[1], [1], [0], [0], [0, 0, 1, 0], [], []>, transpose_lhs_hint = false} : vector<128x512xf32>, vector<512x512xf32>, vector<128x512xf32> -> vector<128x512xf32>
    %slice3A_92 = vector.extract_strided_slice %get3A_89 {offsets = [0, 512], sizes = [512, 512], strides = [1, 1]} : vector<512x1024xf32> to vector<512x512xf32>
    %dot_general3A_93 = arith.constant dense<0.000000e+00> : vector<128x512xf32>
    %dot_general3A_94 = tpu.matmul %get3A_86, %slice3A_92, %dot_general3A_93 {dimension_numbers = #tpu.dot_dimension_numbers<[1], [1], [0], [0], [0, 0, 1, 0], [], []>, transpose_lhs_hint = false} : vector<128x512xf32>, vector<512x512xf32>, vector<128x512xf32> -> vector<128x512xf32>
    %add3A_95 = arith.addf %dot_general3A_91, %dot_general3A_94 : vector<128x512xf32>
    %get3A_96 = arith.constant 0 : index
    %get3A_97 = arith.constant 0 : index
    %get3A_98 = vector.load %arg11[%get3A_96, %get3A_97] : memref<1x512xf32, #tpu.memory_space<vmem>>, vector<1x512xf32>
    %add3A_99 = vector.broadcast %get3A_98 : vector<1x512xf32> to vector<128x512xf32>
    %add3A_100 = arith.addf %add3A_95, %add3A_99 : vector<128x512xf32>
    %integer_pow3A = arith.mulf %add3A_100, %add3A_100 : vector<128x512xf32>
    %integer_pow3A_101 = arith.mulf %add3A_100, %integer_pow3A : vector<128x512xf32>
    %mul3A = arith.constant 4.471500e-02 : f32
    %mul3A_102 = vector.broadcast %mul3A : f32 to vector<128x512xf32>
    %mul3A_103 = arith.mulf %mul3A_102, %integer_pow3A_101 : vector<128x512xf32>
    %add3A_104 = arith.addf %add3A_100, %mul3A_103 : vector<128x512xf32>
    %mul3A_105 = arith.constant 0.797884583 : f32
    %mul3A_106 = vector.broadcast %mul3A_105 : f32 to vector<128x512xf32>
    %mul3A_107 = arith.mulf %mul3A_106, %add3A_104 : vector<128x512xf32>
    %tanh3A = math.tanh %mul3A_107 : vector<128x512xf32>
    %add3A_108 = arith.constant 1.000000e+00 : f32
    %add3A_109 = vector.broadcast %add3A_108 : f32 to vector<128x512xf32>
    %add3A_110 = arith.addf %add3A_109, %tanh3A : vector<128x512xf32>
    %mul3A_111 = arith.constant 5.000000e-01 : f32
    %mul3A_112 = vector.broadcast %mul3A_111 : f32 to vector<128x512xf32>
    %mul3A_113 = arith.mulf %mul3A_112, %add3A_110 : vector<128x512xf32>
    %mul3A_114 = arith.mulf %add3A_100, %mul3A_113 : vector<128x512xf32>
    %get3A_115 = arith.constant 0 : index
    %get3A_116 = arith.constant 0 : index
    %get3A_117 = memref.load %arg13[%get3A_115, %get3A_116] : memref<1x1xf32, #tpu.memory_space<smem>>
    %get3A_118 = arith.constant 0 : index
    %get3A_119 = arith.constant 0 : index
    %get3A_120 = vector.load %arg12[%get3A_118, %get3A_119] : memref<128x512xf32, #tpu.memory_space<vmem>>, vector<128x512xf32>
    %dot_general3A_121 = arith.constant dense<0.000000e+00> : vector<128x128xf32>
    %dot_general3A_122 = tpu.matmul %mul3A_114, %get3A_120, %dot_general3A_121 {dimension_numbers = #tpu.dot_dimension_numbers<[1], [1], [0], [0], [0, 0, 1, 0], [], []>, precision = #tpu.contract_precision<fp32>, transpose_lhs_hint = false} : vector<128x512xf32>, vector<128x512xf32>, vector<128x128xf32> -> vector<128x128xf32>
    %add3A_123 = vector.broadcast %get3A_117 : f32 to vector<128x128xf32>
    %add3A_124 = arith.addf %dot_general3A_122, %add3A_123 : vector<128x128xf32>
    %logistic3A = arith.negf %add3A_124 : vector<128x128xf32>
    %logistic3A_125 = math.exp %logistic3A : vector<128x128xf32>
    %logistic3A_126 = arith.constant 1.000000e+00 : f32
    %logistic3A_127 = vector.broadcast %logistic3A_126 : f32 to vector<128x128xf32>
    %logistic3A_128 = arith.addf %logistic3A_127, %logistic3A_125 : vector<128x128xf32>
    %logistic3A_129 = arith.divf %logistic3A_127, %logistic3A_128 : vector<128x128xf32>
    %swap3A_130 = arith.constant 0 : index
    %swap3A_131 = arith.constant 0 : index
    %swap3A_132 = vector.load %arg15[%swap3A_130, %swap3A_131] : memref<128x128xf32, #tpu.memory_space<vmem>>, vector<128x128xf32>
    tpu.vector_store %arg15[%swap3A_130, %swap3A_131], %logistic3A_129 {strides = array<i32>} : memref<128x128xf32, #tpu.memory_space<vmem>>, vector<128x128xf32>,
    %iota3A_133 = tpu.iota {dimensions = array<i32: 0>} : vector<128x128xi32>
    %iota3A_134 = tpu.iota {dimensions = array<i32: 1>} : vector<128x128xi32>
    %lt3A = arith.constant 100 : i32
    %lt3A_135 = vector.broadcast %lt3A : i32 to vector<128x128xi32>
    %lt3A_136 = arith.cmpi slt, %iota3A_133, %lt3A_135 : vector<128x128xi32>
    %eq3A_137 = arith.constant 0 : i32
    %eq3A_138 = vector.broadcast %eq3A_137 : i32 to vector<128x128xi32>
    %eq3A_139 = arith.cmpi eq, %iota3A_134, %eq3A_138 : vector<128x128xi32>
    %and3A_140 = arith.andi %lt3A_136, %eq3A_139 : vector<128x128xi1>
    %jit3A_141 = arith.constant 0xFF800000 : f32
    %broadcast_in_dim3A_142 = vector.broadcast %jit3A_141 : f32 to vector<128x128xf32>
    %select_n3A_143 = arith.select %and3A_140, %logistic3A_129, %broadcast_in_dim3A_142 : vector<128x128xi1>, vector<128x128xf32>
    %iota3A_144 = tpu.iota {dimensions = array<i32: 1>} : vector<1x128xi32>
    %get3A_145 = arith.constant 0 : index
    %get3A_146 = arith.constant 0 : index
    %get3A_147 = vector.load %arg14[%get3A_145, %get3A_146] : memref<1x128xi32, #tpu.memory_space<vmem>>, vector<1x128xi32>
    %broadcast_in_dim3A_148 = arith.constant 0.000000e+00 : f32
    %broadcast_in_dim3A_149 = vector.broadcast %broadcast_in_dim3A_148 : f32 to vector<1x128xf32>
    %broadcast_in_dim3A_150 = arith.constant 0 : i32
    %broadcast_in_dim3A_151 = vector.broadcast %broadcast_in_dim3A_150 : i32 to vector<1x128xi32>
    %scan3A_152 = arith.constant 0 : i32
    %scan3A_153 = arith.constant 10 : i32
    %scan3A_154 = arith.addi %scan3A_152, %scan3A_153 : i32
    %scan3A_155 = arith.constant 1 : i32
    %scan3A_156:3 = scf.for %scan3A_164 = %scan3A_152 to %scan3A_154 step %scan3A_155 iter_args(%scan3A_165 = %select_n3A_143, %scan3A_166 = %broadcast_in_dim3A_149, %scan3A_167 = %broadcast_in_dim3A_151) -> (vector<128x128xf32>, vector<1x128xf32>, vector<1x128xi32>)  : i32 {
      %reduce_max3A = vector.shape_cast %scan3A_165 : vector<128x128xf32> to vector<1x128x128xf32>
      %reduce_max3A_168 = arith.constant dense<0xFF800000> : vector<1xf32>
      %reduce_max3A_169 = vector.multi_reduction <maximumf>, %reduce_max3A, %reduce_max3A_168 [1, 2] : vector<1x128x128xf32> to vector<1xf32>
      %reduce_max3A_170 = vector.shape_cast %reduce_max3A_169 : vector<1xf32> to vector<1x1x1xf32>
      %reduce_max3A_171 = vector.extract %reduce_max3A_170[0, 0, 0] : f32 from vector<1x1x1xf32>
      %eq3A_172 = vector.broadcast %reduce_max3A_171 : f32 to vector<128x128xf32>
      %eq3A_173 = arith.cmpf oeq, %scan3A_165, %eq3A_172 : vector<128x128xf32>
      %jit3A_174 = arith.constant 1073741824 : i32
      %broadcast_in_dim3A_175 = vector.broadcast %jit3A_174 : i32 to vector<128x128xi32>
      %select_n3A_176 = arith.select %eq3A_173, %iota3A_133, %broadcast_in_dim3A_175 : vector<128x128xi1>, vector<128x128xi32>
      %reduce_min3A = vector.shape_cast %select_n3A_176 : vector<128x128xi32> to vector<1x128x128xi32>
      %reduce_min3A_177 = arith.constant dense<2147483647> : vector<1xi32>
      %reduce_min3A_178 = vector.multi_reduction <minsi>, %reduce_min3A, %reduce_min3A_177 [1, 2] : vector<1x128x128xi32> to vector<1xi32>
      %reduce_min3A_179 = vector.shape_cast %reduce_min3A_178 : vector<1xi32> to vector<1x1x1xi32>
      %reduce_min3A_180 = vector.extract %reduce_min3A_179[0, 0, 0] : i32 from vector<1x1x1xi32>
      %eq3A_181 = vector.broadcast %reduce_min3A_180 : i32 to vector<1x128xi32>
      %eq3A_182 = arith.cmpi eq, %iota3A_144, %eq3A_181 : vector<1x128xi32>
      %jit3A_183 = arith.constant -1 : i32
      %broadcast_in_dim3A_184 = vector.broadcast %jit3A_183 : i32 to vector<1x128xi32>
      %select_n3A_185 = arith.select %eq3A_182, %get3A_147, %broadcast_in_dim3A_184 : vector<1x128xi1>, vector<1x128xi32>
      %reduce_max3A_186 = vector.shape_cast %select_n3A_185 : vector<1x128xi32> to vector<1x1x128xi32>
      %reduce_max3A_187 = arith.constant dense<-2147483648> : vector<1xi32>
      %reduce_max3A_188 = vector.multi_reduction <maxsi>, %reduce_max3A_186, %reduce_max3A_187 [1, 2] : vector<1x1x128xi32> to vector<1xi32>
      %reduce_max3A_189 = vector.shape_cast %reduce_max3A_188 : vector<1xi32> to vector<1x1x1xi32>
      %reduce_max3A_190 = vector.extract %reduce_max3A_189[0, 0, 0] : i32 from vector<1x1x1xi32>
      %eq3A_191 = vector.broadcast %scan3A_164 : i32 to vector<1x128xi32>
      %eq3A_192 = arith.cmpi eq, %iota3A_144, %eq3A_191 : vector<1x128xi32>
      %broadcast_in_dim3A_193 = vector.broadcast %reduce_max3A_171 : f32 to vector<1x128xf32>
      %select_n3A_194 = arith.select %eq3A_192, %broadcast_in_dim3A_193, %scan3A_166 : vector<1x128xi1>, vector<1x128xf32>
      %eq3A_195 = vector.broadcast %scan3A_164 : i32 to vector<1x128xi32>
      %eq3A_196 = arith.cmpi eq, %iota3A_144, %eq3A_195 : vector<1x128xi32>
      %broadcast_in_dim3A_197 = vector.broadcast %reduce_max3A_190 : i32 to vector<1x128xi32>
      %select_n3A_198 = arith.select %eq3A_196, %broadcast_in_dim3A_197, %scan3A_167 : vector<1x128xi1>, vector<1x128xi32>
      %eq3A_199 = vector.broadcast %reduce_min3A_180 : i32 to vector<128x128xi32>
      %eq3A_200 = arith.cmpi eq, %iota3A_133, %eq3A_199 : vector<128x128xi32>
      %eq3A_201 = arith.constant 0 : i32
      %eq3A_202 = vector.broadcast %eq3A_201 : i32 to vector<128x128xi32>
      %eq3A_203 = arith.cmpi eq, %iota3A_134, %eq3A_202 : vector<128x128xi32>
      %and3A_204 = arith.andi %eq3A_200, %eq3A_203 : vector<128x128xi1>
      %jit3A_205 = arith.constant 0xFF800000 : f32
      %broadcast_in_dim3A_206 = vector.broadcast %jit3A_205 : f32 to vector<128x128xf32>
      %select_n3A_207 = arith.select %and3A_204, %broadcast_in_dim3A_206, %scan3A_165 : vector<128x128xi1>, vector<128x128xf32>
      scf.yield %select_n3A_207, %select_n3A_194, %select_n3A_198 : vector<128x128xf32>, vector<1x128xf32>, vector<1x128xi32>
    }
    %scan3A_157 = arith.constant 10 : i32
    %swap3A_158 = arith.constant 0 : index
    %swap3A_159 = arith.constant 0 : index
    %swap3A_160 = vector.load %arg16[%swap3A_158, %swap3A_159] : memref<1x128xf32, #tpu.memory_space<vmem>>, vector<1x128xf32>
    tpu.vector_store %arg16[%swap3A_158, %swap3A_159], %scan3A_156#1 {strides = array<i32>} : memref<1x128xf32, #tpu.memory_space<vmem>>, vector<1x128xf32>,
    %swap3A_161 = arith.constant 0 : index
    %swap3A_162 = arith.constant 0 : index
    %swap3A_163 = vector.load %arg17[%swap3A_161, %swap3A_162] : memref<1x128xi32, #tpu.memory_space<vmem>>, vector<1x128xi32>
    tpu.vector_store %arg17[%swap3A_161, %swap3A_162], %scan3A_156#2 {strides = array<i32>} : memref<1x128xi32, #tpu.memory_space<vmem>>, vector<1x128xi32>,
    return
  }
}

module attributes {stable_mosaic.version = 14 : i64} {
  func.func @_topk_body(%arg0: memref<8x128x128xf32, #tpu.memory_space<vmem>>, %arg1: memref<1x128xi32, #tpu.memory_space<vmem>>) attributes {dimension_semantics = [], scalar_prefetch = 0 : i64, scratch_operands = 0 : i64, tpu.core_type = #tpu.core_type<tc>} {
    %iota3A = tpu.iota {dimensions = array<i32: 1>} : vector<1x128xi32>
    %iota3A_0 = tpu.iota {dimensions = array<i32: 1>} : vector<8x128xi32>
    %iota3A_1 = tpu.iota {dimensions = array<i32: 0>} : vector<8x128xi32>
    %iota3A_2 = tpu.iota {dimensions = array<i32: 0>} : vector<128x128xi32>
    %broadcast_in_dim3A = arith.constant 0xFF800000 : f32
    %broadcast_in_dim3A_3 = vector.broadcast %broadcast_in_dim3A : f32 to vector<8x128xf32>
    %broadcast_in_dim3A_4 = arith.constant 0 : i32
    %broadcast_in_dim3A_5 = vector.broadcast %broadcast_in_dim3A_4 : i32 to vector<8x128xi32>
    %get3A = arith.constant 0 : index
    %get3A_6 = arith.constant 0 : index
    %get3A_7 = arith.constant 0 : index
    %get3A_8 = vector.load %arg0[%get3A, %get3A_6, %get3A_7] : memref<8x128x128xf32, #tpu.memory_space<vmem>>, vector<1x128x128xf32>
    %get3A_9 = vector.shape_cast %get3A_8 : vector<1x128x128xf32> to vector<128x128xf32>
    %broadcast_in_dim3A_10 = arith.constant 0x7F800000 : f32
    %broadcast_in_dim3A_11 = vector.broadcast %broadcast_in_dim3A_10 : f32 to vector<1x128xf32>
    %broadcast_in_dim3A_12 = arith.constant -1 : i32
    %broadcast_in_dim3A_13 = vector.broadcast %broadcast_in_dim3A_12 : i32 to vector<1x128xi32>
    %add3A = arith.constant 0 : i32
    %add3A_14 = vector.broadcast %add3A : i32 to vector<128x128xi32>
    %add3A_15 = arith.addi %iota3A_2, %add3A_14 : vector<128x128xi32>
    %lt3A = vector.broadcast %broadcast_in_dim3A_11 : vector<1x128xf32> to vector<128x128xf32>
    %lt3A_16 = arith.cmpf olt, %get3A_9, %lt3A : vector<128x128xf32>
    %eq3A = vector.broadcast %broadcast_in_dim3A_11 : vector<1x128xf32> to vector<128x128xf32>
    %eq3A_17 = arith.cmpf oeq, %get3A_9, %eq3A : vector<128x128xf32>
    %gt3A = vector.broadcast %broadcast_in_dim3A_13 : vector<1x128xi32> to vector<128x128xi32>
    %gt3A_18 = arith.cmpi sgt, %add3A_15, %gt3A : vector<128x128xi32>
    %and3A = arith.andi %eq3A_17, %gt3A_18 : vector<128x128xi1>
    %or3A = arith.ori %lt3A_16, %and3A : vector<128x128xi1>
    %jit3A = arith.constant 0xFF800000 : f32
    %broadcast_in_dim3A_19 = vector.broadcast %jit3A : f32 to vector<128x128xf32>
    %select_n3A = arith.select %or3A, %get3A_9, %broadcast_in_dim3A_19 : vector<128x128xi1>, vector<128x128xf32>
    %reduce_max3A = arith.constant dense<0xFF800000> : vector<128xf32>
    %reduce_max3A_20 = vector.multi_reduction <maximumf>, %select_n3A, %reduce_max3A [0] : vector<128x128xf32> to vector<128xf32>
    %broadcast_in_dim3A_21 = vector.shape_cast %reduce_max3A_20 : vector<128xf32> to vector<1x128xf32>
    %eq3A_22 = vector.broadcast %broadcast_in_dim3A_21 : vector<1x128xf32> to vector<128x128xf32>
    %eq3A_23 = arith.cmpf oeq, %select_n3A, %eq3A_22 : vector<128x128xf32>
    %jit3A_24 = arith.constant 1073741824 : i32
    %broadcast_in_dim3A_25 = vector.broadcast %jit3A_24 : i32 to vector<128x128xi32>
    %select_n3A_26 = arith.select %eq3A_23, %add3A_15, %broadcast_in_dim3A_25 : vector<128x128xi1>, vector<128x128xi32>
    %reduce_min3A = arith.constant dense<2147483647> : vector<128xi32>
    %reduce_min3A_27 = vector.multi_reduction <minsi>, %select_n3A_26, %reduce_min3A [0] : vector<128x128xi32> to vector<128xi32>
    %broadcast_in_dim3A_28 = vector.shape_cast %reduce_min3A_27 : vector<128xi32> to vector<1x128xi32>
    %eq3A_29 = arith.constant 0 : i32
    %eq3A_30 = vector.broadcast %eq3A_29 : i32 to vector<8x128xi32>
    %eq3A_31 = arith.cmpi eq, %iota3A_1, %eq3A_30 : vector<8x128xi32>
    %broadcast_in_dim3A_32 = vector.shape_cast %broadcast_in_dim3A_21 : vector<1x128xf32> to vector<1x128xf32>
    %broadcast_in_dim3A_33 = vector.broadcast %broadcast_in_dim3A_32 : vector<1x128xf32> to vector<8x128xf32>
    %select_n3A_34 = arith.select %eq3A_31, %broadcast_in_dim3A_33, %broadcast_in_dim3A_3 : vector<8x128xi1>, vector<8x128xf32>
    %eq3A_35 = arith.constant 0 : i32
    %eq3A_36 = vector.broadcast %eq3A_35 : i32 to vector<8x128xi32>
    %eq3A_37 = arith.cmpi eq, %iota3A_1, %eq3A_36 : vector<8x128xi32>
    %broadcast_in_dim3A_38 = vector.shape_cast %broadcast_in_dim3A_28 : vector<1x128xi32> to vector<1x128xi32>
    %broadcast_in_dim3A_39 = vector.broadcast %broadcast_in_dim3A_38 : vector<1x128xi32> to vector<8x128xi32>
    %select_n3A_40 = arith.select %eq3A_37, %broadcast_in_dim3A_39, %broadcast_in_dim3A_5 : vector<8x128xi1>, vector<8x128xi32>
    %get3A_41 = arith.constant 1 : index
    %get3A_42 = arith.constant 0 : index
    %get3A_43 = arith.constant 0 : index
    %get3A_44 = vector.load %arg0[%get3A_41, %get3A_42, %get3A_43] : memref<8x128x128xf32, #tpu.memory_space<vmem>>, vector<1x128x128xf32>
    %get3A_45 = vector.shape_cast %get3A_44 : vector<1x128x128xf32> to vector<128x128xf32>
    %broadcast_in_dim3A_46 = arith.constant 0x7F800000 : f32
    %broadcast_in_dim3A_47 = vector.broadcast %broadcast_in_dim3A_46 : f32 to vector<1x128xf32>
    %broadcast_in_dim3A_48 = arith.constant -1 : i32
    %broadcast_in_dim3A_49 = vector.broadcast %broadcast_in_dim3A_48 : i32 to vector<1x128xi32>
    %add3A_50 = arith.constant 128 : i32
    %add3A_51 = vector.broadcast %add3A_50 : i32 to vector<128x128xi32>
    %add3A_52 = arith.addi %iota3A_2, %add3A_51 : vector<128x128xi32>
    %lt3A_53 = vector.broadcast %broadcast_in_dim3A_47 : vector<1x128xf32> to vector<128x128xf32>
    %lt3A_54 = arith.cmpf olt, %get3A_45, %lt3A_53 : vector<128x128xf32>
    %eq3A_55 = vector.broadcast %broadcast_in_dim3A_47 : vector<1x128xf32> to vector<128x128xf32>
    %eq3A_56 = arith.cmpf oeq, %get3A_45, %eq3A_55 : vector<128x128xf32>
    %gt3A_57 = vector.broadcast %broadcast_in_dim3A_49 : vector<1x128xi32> to vector<128x128xi32>
    %gt3A_58 = arith.cmpi sgt, %add3A_52, %gt3A_57 : vector<128x128xi32>
    %and3A_59 = arith.andi %eq3A_56, %gt3A_58 : vector<128x128xi1>
    %or3A_60 = arith.ori %lt3A_54, %and3A_59 : vector<128x128xi1>
    %jit3A_61 = arith.constant 0xFF800000 : f32
    %broadcast_in_dim3A_62 = vector.broadcast %jit3A_61 : f32 to vector<128x128xf32>
    %select_n3A_63 = arith.select %or3A_60, %get3A_45, %broadcast_in_dim3A_62 : vector<128x128xi1>, vector<128x128xf32>
    %reduce_max3A_64 = arith.constant dense<0xFF800000> : vector<128xf32>
    %reduce_max3A_65 = vector.multi_reduction <maximumf>, %select_n3A_63, %reduce_max3A_64 [0] : vector<128x128xf32> to vector<128xf32>
    %broadcast_in_dim3A_66 = vector.shape_cast %reduce_max3A_65 : vector<128xf32> to vector<1x128xf32>
    %eq3A_67 = vector.broadcast %broadcast_in_dim3A_66 : vector<1x128xf32> to vector<128x128xf32>
    %eq3A_68 = arith.cmpf oeq, %select_n3A_63, %eq3A_67 : vector<128x128xf32>
    %jit3A_69 = arith.constant 1073741824 : i32
    %broadcast_in_dim3A_70 = vector.broadcast %jit3A_69 : i32 to vector<128x128xi32>
    %select_n3A_71 = arith.select %eq3A_68, %add3A_52, %broadcast_in_dim3A_70 : vector<128x128xi1>, vector<128x128xi32>
    %reduce_min3A_72 = arith.constant dense<2147483647> : vector<128xi32>
    %reduce_min3A_73 = vector.multi_reduction <minsi>, %select_n3A_71, %reduce_min3A_72 [0] : vector<128x128xi32> to vector<128xi32>
    %broadcast_in_dim3A_74 = vector.shape_cast %reduce_min3A_73 : vector<128xi32> to vector<1x128xi32>
    %eq3A_75 = arith.constant 1 : i32
    %eq3A_76 = vector.broadcast %eq3A_75 : i32 to vector<8x128xi32>
    %eq3A_77 = arith.cmpi eq, %iota3A_1, %eq3A_76 : vector<8x128xi32>
    %broadcast_in_dim3A_78 = vector.shape_cast %broadcast_in_dim3A_66 : vector<1x128xf32> to vector<1x128xf32>
    %broadcast_in_dim3A_79 = vector.broadcast %broadcast_in_dim3A_78 : vector<1x128xf32> to vector<8x128xf32>
    %select_n3A_80 = arith.select %eq3A_77, %broadcast_in_dim3A_79, %select_n3A_34 : vector<8x128xi1>, vector<8x128xf32>
    %eq3A_81 = arith.constant 1 : i32
    %eq3A_82 = vector.broadcast %eq3A_81 : i32 to vector<8x128xi32>
    %eq3A_83 = arith.cmpi eq, %iota3A_1, %eq3A_82 : vector<8x128xi32>
    %broadcast_in_dim3A_84 = vector.shape_cast %broadcast_in_dim3A_74 : vector<1x128xi32> to vector<1x128xi32>
    %broadcast_in_dim3A_85 = vector.broadcast %broadcast_in_dim3A_84 : vector<1x128xi32> to vector<8x128xi32>
    %select_n3A_86 = arith.select %eq3A_83, %broadcast_in_dim3A_85, %select_n3A_40 : vector<8x128xi1>, vector<8x128xi32>
    %get3A_87 = arith.constant 2 : index
    %get3A_88 = arith.constant 0 : index
    %get3A_89 = arith.constant 0 : index
    %get3A_90 = vector.load %arg0[%get3A_87, %get3A_88, %get3A_89] : memref<8x128x128xf32, #tpu.memory_space<vmem>>, vector<1x128x128xf32>
    %get3A_91 = vector.shape_cast %get3A_90 : vector<1x128x128xf32> to vector<128x128xf32>
    %broadcast_in_dim3A_92 = arith.constant 0x7F800000 : f32
    %broadcast_in_dim3A_93 = vector.broadcast %broadcast_in_dim3A_92 : f32 to vector<1x128xf32>
    %broadcast_in_dim3A_94 = arith.constant -1 : i32
    %broadcast_in_dim3A_95 = vector.broadcast %broadcast_in_dim3A_94 : i32 to vector<1x128xi32>
    %add3A_96 = arith.constant 256 : i32
    %add3A_97 = vector.broadcast %add3A_96 : i32 to vector<128x128xi32>
    %add3A_98 = arith.addi %iota3A_2, %add3A_97 : vector<128x128xi32>
    %lt3A_99 = vector.broadcast %broadcast_in_dim3A_93 : vector<1x128xf32> to vector<128x128xf32>
    %lt3A_100 = arith.cmpf olt, %get3A_91, %lt3A_99 : vector<128x128xf32>
    %eq3A_101 = vector.broadcast %broadcast_in_dim3A_93 : vector<1x128xf32> to vector<128x128xf32>
    %eq3A_102 = arith.cmpf oeq, %get3A_91, %eq3A_101 : vector<128x128xf32>
    %gt3A_103 = vector.broadcast %broadcast_in_dim3A_95 : vector<1x128xi32> to vector<128x128xi32>
    %gt3A_104 = arith.cmpi sgt, %add3A_98, %gt3A_103 : vector<128x128xi32>
    %and3A_105 = arith.andi %eq3A_102, %gt3A_104 : vector<128x128xi1>
    %or3A_106 = arith.ori %lt3A_100, %and3A_105 : vector<128x128xi1>
    %jit3A_107 = arith.constant 0xFF800000 : f32
    %broadcast_in_dim3A_108 = vector.broadcast %jit3A_107 : f32 to vector<128x128xf32>
    %select_n3A_109 = arith.select %or3A_106, %get3A_91, %broadcast_in_dim3A_108 : vector<128x128xi1>, vector<128x128xf32>
    %reduce_max3A_110 = arith.constant dense<0xFF800000> : vector<128xf32>
    %reduce_max3A_111 = vector.multi_reduction <maximumf>, %select_n3A_109, %reduce_max3A_110 [0] : vector<128x128xf32> to vector<128xf32>
    %broadcast_in_dim3A_112 = vector.shape_cast %reduce_max3A_111 : vector<128xf32> to vector<1x128xf32>
    %eq3A_113 = vector.broadcast %broadcast_in_dim3A_112 : vector<1x128xf32> to vector<128x128xf32>
    %eq3A_114 = arith.cmpf oeq, %select_n3A_109, %eq3A_113 : vector<128x128xf32>
    %jit3A_115 = arith.constant 1073741824 : i32
    %broadcast_in_dim3A_116 = vector.broadcast %jit3A_115 : i32 to vector<128x128xi32>
    %select_n3A_117 = arith.select %eq3A_114, %add3A_98, %broadcast_in_dim3A_116 : vector<128x128xi1>, vector<128x128xi32>
    %reduce_min3A_118 = arith.constant dense<2147483647> : vector<128xi32>
    %reduce_min3A_119 = vector.multi_reduction <minsi>, %select_n3A_117, %reduce_min3A_118 [0] : vector<128x128xi32> to vector<128xi32>
    %broadcast_in_dim3A_120 = vector.shape_cast %reduce_min3A_119 : vector<128xi32> to vector<1x128xi32>
    %eq3A_121 = arith.constant 2 : i32
    %eq3A_122 = vector.broadcast %eq3A_121 : i32 to vector<8x128xi32>
    %eq3A_123 = arith.cmpi eq, %iota3A_1, %eq3A_122 : vector<8x128xi32>
    %broadcast_in_dim3A_124 = vector.shape_cast %broadcast_in_dim3A_112 : vector<1x128xf32> to vector<1x128xf32>
    %broadcast_in_dim3A_125 = vector.broadcast %broadcast_in_dim3A_124 : vector<1x128xf32> to vector<8x128xf32>
    %select_n3A_126 = arith.select %eq3A_123, %broadcast_in_dim3A_125, %select_n3A_80 : vector<8x128xi1>, vector<8x128xf32>
    %eq3A_127 = arith.constant 2 : i32
    %eq3A_128 = vector.broadcast %eq3A_127 : i32 to vector<8x128xi32>
    %eq3A_129 = arith.cmpi eq, %iota3A_1, %eq3A_128 : vector<8x128xi32>
    %broadcast_in_dim3A_130 = vector.shape_cast %broadcast_in_dim3A_120 : vector<1x128xi32> to vector<1x128xi32>
    %broadcast_in_dim3A_131 = vector.broadcast %broadcast_in_dim3A_130 : vector<1x128xi32> to vector<8x128xi32>
    %select_n3A_132 = arith.select %eq3A_129, %broadcast_in_dim3A_131, %select_n3A_86 : vector<8x128xi1>, vector<8x128xi32>
    %get3A_133 = arith.constant 3 : index
    %get3A_134 = arith.constant 0 : index
    %get3A_135 = arith.constant 0 : index
    %get3A_136 = vector.load %arg0[%get3A_133, %get3A_134, %get3A_135] : memref<8x128x128xf32, #tpu.memory_space<vmem>>, vector<1x128x128xf32>
    %get3A_137 = vector.shape_cast %get3A_136 : vector<1x128x128xf32> to vector<128x128xf32>
    %broadcast_in_dim3A_138 = arith.constant 0x7F800000 : f32
    %broadcast_in_dim3A_139 = vector.broadcast %broadcast_in_dim3A_138 : f32 to vector<1x128xf32>
    %broadcast_in_dim3A_140 = arith.constant -1 : i32
    %broadcast_in_dim3A_141 = vector.broadcast %broadcast_in_dim3A_140 : i32 to vector<1x128xi32>
    %add3A_142 = arith.constant 384 : i32
    %add3A_143 = vector.broadcast %add3A_142 : i32 to vector<128x128xi32>
    %add3A_144 = arith.addi %iota3A_2, %add3A_143 : vector<128x128xi32>
    %lt3A_145 = vector.broadcast %broadcast_in_dim3A_139 : vector<1x128xf32> to vector<128x128xf32>
    %lt3A_146 = arith.cmpf olt, %get3A_137, %lt3A_145 : vector<128x128xf32>
    %eq3A_147 = vector.broadcast %broadcast_in_dim3A_139 : vector<1x128xf32> to vector<128x128xf32>
    %eq3A_148 = arith.cmpf oeq, %get3A_137, %eq3A_147 : vector<128x128xf32>
    %gt3A_149 = vector.broadcast %broadcast_in_dim3A_141 : vector<1x128xi32> to vector<128x128xi32>
    %gt3A_150 = arith.cmpi sgt, %add3A_144, %gt3A_149 : vector<128x128xi32>
    %and3A_151 = arith.andi %eq3A_148, %gt3A_150 : vector<128x128xi1>
    %or3A_152 = arith.ori %lt3A_146, %and3A_151 : vector<128x128xi1>
    %jit3A_153 = arith.constant 0xFF800000 : f32
    %broadcast_in_dim3A_154 = vector.broadcast %jit3A_153 : f32 to vector<128x128xf32>
    %select_n3A_155 = arith.select %or3A_152, %get3A_137, %broadcast_in_dim3A_154 : vector<128x128xi1>, vector<128x128xf32>
    %reduce_max3A_156 = arith.constant dense<0xFF800000> : vector<128xf32>
    %reduce_max3A_157 = vector.multi_reduction <maximumf>, %select_n3A_155, %reduce_max3A_156 [0] : vector<128x128xf32> to vector<128xf32>
    %broadcast_in_dim3A_158 = vector.shape_cast %reduce_max3A_157 : vector<128xf32> to vector<1x128xf32>
    %eq3A_159 = vector.broadcast %broadcast_in_dim3A_158 : vector<1x128xf32> to vector<128x128xf32>
    %eq3A_160 = arith.cmpf oeq, %select_n3A_155, %eq3A_159 : vector<128x128xf32>
    %jit3A_161 = arith.constant 1073741824 : i32
    %broadcast_in_dim3A_162 = vector.broadcast %jit3A_161 : i32 to vector<128x128xi32>
    %select_n3A_163 = arith.select %eq3A_160, %add3A_144, %broadcast_in_dim3A_162 : vector<128x128xi1>, vector<128x128xi32>
    %reduce_min3A_164 = arith.constant dense<2147483647> : vector<128xi32>
    %reduce_min3A_165 = vector.multi_reduction <minsi>, %select_n3A_163, %reduce_min3A_164 [0] : vector<128x128xi32> to vector<128xi32>
    %broadcast_in_dim3A_166 = vector.shape_cast %reduce_min3A_165 : vector<128xi32> to vector<1x128xi32>
    %eq3A_167 = arith.constant 3 : i32
    %eq3A_168 = vector.broadcast %eq3A_167 : i32 to vector<8x128xi32>
    %eq3A_169 = arith.cmpi eq, %iota3A_1, %eq3A_168 : vector<8x128xi32>
    %broadcast_in_dim3A_170 = vector.shape_cast %broadcast_in_dim3A_158 : vector<1x128xf32> to vector<1x128xf32>
    %broadcast_in_dim3A_171 = vector.broadcast %broadcast_in_dim3A_170 : vector<1x128xf32> to vector<8x128xf32>
    %select_n3A_172 = arith.select %eq3A_169, %broadcast_in_dim3A_171, %select_n3A_126 : vector<8x128xi1>, vector<8x128xf32>
    %eq3A_173 = arith.constant 3 : i32
    %eq3A_174 = vector.broadcast %eq3A_173 : i32 to vector<8x128xi32>
    %eq3A_175 = arith.cmpi eq, %iota3A_1, %eq3A_174 : vector<8x128xi32>
    %broadcast_in_dim3A_176 = vector.shape_cast %broadcast_in_dim3A_166 : vector<1x128xi32> to vector<1x128xi32>
    %broadcast_in_dim3A_177 = vector.broadcast %broadcast_in_dim3A_176 : vector<1x128xi32> to vector<8x128xi32>
    %select_n3A_178 = arith.select %eq3A_175, %broadcast_in_dim3A_177, %select_n3A_132 : vector<8x128xi1>, vector<8x128xi32>
    %get3A_179 = arith.constant 4 : index
    %get3A_180 = arith.constant 0 : index
    %get3A_181 = arith.constant 0 : index
    %get3A_182 = vector.load %arg0[%get3A_179, %get3A_180, %get3A_181] : memref<8x128x128xf32, #tpu.memory_space<vmem>>, vector<1x128x128xf32>
    %get3A_183 = vector.shape_cast %get3A_182 : vector<1x128x128xf32> to vector<128x128xf32>
    %broadcast_in_dim3A_184 = arith.constant 0x7F800000 : f32
    %broadcast_in_dim3A_185 = vector.broadcast %broadcast_in_dim3A_184 : f32 to vector<1x128xf32>
    %broadcast_in_dim3A_186 = arith.constant -1 : i32
    %broadcast_in_dim3A_187 = vector.broadcast %broadcast_in_dim3A_186 : i32 to vector<1x128xi32>
    %add3A_188 = arith.constant 512 : i32
    %add3A_189 = vector.broadcast %add3A_188 : i32 to vector<128x128xi32>
    %add3A_190 = arith.addi %iota3A_2, %add3A_189 : vector<128x128xi32>
    %lt3A_191 = vector.broadcast %broadcast_in_dim3A_185 : vector<1x128xf32> to vector<128x128xf32>
    %lt3A_192 = arith.cmpf olt, %get3A_183, %lt3A_191 : vector<128x128xf32>
    %eq3A_193 = vector.broadcast %broadcast_in_dim3A_185 : vector<1x128xf32> to vector<128x128xf32>
    %eq3A_194 = arith.cmpf oeq, %get3A_183, %eq3A_193 : vector<128x128xf32>
    %gt3A_195 = vector.broadcast %broadcast_in_dim3A_187 : vector<1x128xi32> to vector<128x128xi32>
    %gt3A_196 = arith.cmpi sgt, %add3A_190, %gt3A_195 : vector<128x128xi32>
    %and3A_197 = arith.andi %eq3A_194, %gt3A_196 : vector<128x128xi1>
    %or3A_198 = arith.ori %lt3A_192, %and3A_197 : vector<128x128xi1>
    %jit3A_199 = arith.constant 0xFF800000 : f32
    %broadcast_in_dim3A_200 = vector.broadcast %jit3A_199 : f32 to vector<128x128xf32>
    %select_n3A_201 = arith.select %or3A_198, %get3A_183, %broadcast_in_dim3A_200 : vector<128x128xi1>, vector<128x128xf32>
    %reduce_max3A_202 = arith.constant dense<0xFF800000> : vector<128xf32>
    %reduce_max3A_203 = vector.multi_reduction <maximumf>, %select_n3A_201, %reduce_max3A_202 [0] : vector<128x128xf32> to vector<128xf32>
    %broadcast_in_dim3A_204 = vector.shape_cast %reduce_max3A_203 : vector<128xf32> to vector<1x128xf32>
    %eq3A_205 = vector.broadcast %broadcast_in_dim3A_204 : vector<1x128xf32> to vector<128x128xf32>
    %eq3A_206 = arith.cmpf oeq, %select_n3A_201, %eq3A_205 : vector<128x128xf32>
    %jit3A_207 = arith.constant 1073741824 : i32
    %broadcast_in_dim3A_208 = vector.broadcast %jit3A_207 : i32 to vector<128x128xi32>
    %select_n3A_209 = arith.select %eq3A_206, %add3A_190, %broadcast_in_dim3A_208 : vector<128x128xi1>, vector<128x128xi32>
    %reduce_min3A_210 = arith.constant dense<2147483647> : vector<128xi32>
    %reduce_min3A_211 = vector.multi_reduction <minsi>, %select_n3A_209, %reduce_min3A_210 [0] : vector<128x128xi32> to vector<128xi32>
    %broadcast_in_dim3A_212 = vector.shape_cast %reduce_min3A_211 : vector<128xi32> to vector<1x128xi32>
    %eq3A_213 = arith.constant 4 : i32
    %eq3A_214 = vector.broadcast %eq3A_213 : i32 to vector<8x128xi32>
    %eq3A_215 = arith.cmpi eq, %iota3A_1, %eq3A_214 : vector<8x128xi32>
    %broadcast_in_dim3A_216 = vector.shape_cast %broadcast_in_dim3A_204 : vector<1x128xf32> to vector<1x128xf32>
    %broadcast_in_dim3A_217 = vector.broadcast %broadcast_in_dim3A_216 : vector<1x128xf32> to vector<8x128xf32>
    %select_n3A_218 = arith.select %eq3A_215, %broadcast_in_dim3A_217, %select_n3A_172 : vector<8x128xi1>, vector<8x128xf32>
    %eq3A_219 = arith.constant 4 : i32
    %eq3A_220 = vector.broadcast %eq3A_219 : i32 to vector<8x128xi32>
    %eq3A_221 = arith.cmpi eq, %iota3A_1, %eq3A_220 : vector<8x128xi32>
    %broadcast_in_dim3A_222 = vector.shape_cast %broadcast_in_dim3A_212 : vector<1x128xi32> to vector<1x128xi32>
    %broadcast_in_dim3A_223 = vector.broadcast %broadcast_in_dim3A_222 : vector<1x128xi32> to vector<8x128xi32>
    %select_n3A_224 = arith.select %eq3A_221, %broadcast_in_dim3A_223, %select_n3A_178 : vector<8x128xi1>, vector<8x128xi32>
    %get3A_225 = arith.constant 5 : index
    %get3A_226 = arith.constant 0 : index
    %get3A_227 = arith.constant 0 : index
    %get3A_228 = vector.load %arg0[%get3A_225, %get3A_226, %get3A_227] : memref<8x128x128xf32, #tpu.memory_space<vmem>>, vector<1x128x128xf32>
    %get3A_229 = vector.shape_cast %get3A_228 : vector<1x128x128xf32> to vector<128x128xf32>
    %broadcast_in_dim3A_230 = arith.constant 0x7F800000 : f32
    %broadcast_in_dim3A_231 = vector.broadcast %broadcast_in_dim3A_230 : f32 to vector<1x128xf32>
    %broadcast_in_dim3A_232 = arith.constant -1 : i32
    %broadcast_in_dim3A_233 = vector.broadcast %broadcast_in_dim3A_232 : i32 to vector<1x128xi32>
    %add3A_234 = arith.constant 640 : i32
    %add3A_235 = vector.broadcast %add3A_234 : i32 to vector<128x128xi32>
    %add3A_236 = arith.addi %iota3A_2, %add3A_235 : vector<128x128xi32>
    %lt3A_237 = vector.broadcast %broadcast_in_dim3A_231 : vector<1x128xf32> to vector<128x128xf32>
    %lt3A_238 = arith.cmpf olt, %get3A_229, %lt3A_237 : vector<128x128xf32>
    %eq3A_239 = vector.broadcast %broadcast_in_dim3A_231 : vector<1x128xf32> to vector<128x128xf32>
    %eq3A_240 = arith.cmpf oeq, %get3A_229, %eq3A_239 : vector<128x128xf32>
    %gt3A_241 = vector.broadcast %broadcast_in_dim3A_233 : vector<1x128xi32> to vector<128x128xi32>
    %gt3A_242 = arith.cmpi sgt, %add3A_236, %gt3A_241 : vector<128x128xi32>
    %and3A_243 = arith.andi %eq3A_240, %gt3A_242 : vector<128x128xi1>
    %or3A_244 = arith.ori %lt3A_238, %and3A_243 : vector<128x128xi1>
    %jit3A_245 = arith.constant 0xFF800000 : f32
    %broadcast_in_dim3A_246 = vector.broadcast %jit3A_245 : f32 to vector<128x128xf32>
    %select_n3A_247 = arith.select %or3A_244, %get3A_229, %broadcast_in_dim3A_246 : vector<128x128xi1>, vector<128x128xf32>
    %reduce_max3A_248 = arith.constant dense<0xFF800000> : vector<128xf32>
    %reduce_max3A_249 = vector.multi_reduction <maximumf>, %select_n3A_247, %reduce_max3A_248 [0] : vector<128x128xf32> to vector<128xf32>
    %broadcast_in_dim3A_250 = vector.shape_cast %reduce_max3A_249 : vector<128xf32> to vector<1x128xf32>
    %eq3A_251 = vector.broadcast %broadcast_in_dim3A_250 : vector<1x128xf32> to vector<128x128xf32>
    %eq3A_252 = arith.cmpf oeq, %select_n3A_247, %eq3A_251 : vector<128x128xf32>
    %jit3A_253 = arith.constant 1073741824 : i32
    %broadcast_in_dim3A_254 = vector.broadcast %jit3A_253 : i32 to vector<128x128xi32>
    %select_n3A_255 = arith.select %eq3A_252, %add3A_236, %broadcast_in_dim3A_254 : vector<128x128xi1>, vector<128x128xi32>
    %reduce_min3A_256 = arith.constant dense<2147483647> : vector<128xi32>
    %reduce_min3A_257 = vector.multi_reduction <minsi>, %select_n3A_255, %reduce_min3A_256 [0] : vector<128x128xi32> to vector<128xi32>
    %broadcast_in_dim3A_258 = vector.shape_cast %reduce_min3A_257 : vector<128xi32> to vector<1x128xi32>
    %eq3A_259 = arith.constant 5 : i32
    %eq3A_260 = vector.broadcast %eq3A_259 : i32 to vector<8x128xi32>
    %eq3A_261 = arith.cmpi eq, %iota3A_1, %eq3A_260 : vector<8x128xi32>
    %broadcast_in_dim3A_262 = vector.shape_cast %broadcast_in_dim3A_250 : vector<1x128xf32> to vector<1x128xf32>
    %broadcast_in_dim3A_263 = vector.broadcast %broadcast_in_dim3A_262 : vector<1x128xf32> to vector<8x128xf32>
    %select_n3A_264 = arith.select %eq3A_261, %broadcast_in_dim3A_263, %select_n3A_218 : vector<8x128xi1>, vector<8x128xf32>
    %eq3A_265 = arith.constant 5 : i32
    %eq3A_266 = vector.broadcast %eq3A_265 : i32 to vector<8x128xi32>
    %eq3A_267 = arith.cmpi eq, %iota3A_1, %eq3A_266 : vector<8x128xi32>
    %broadcast_in_dim3A_268 = vector.shape_cast %broadcast_in_dim3A_258 : vector<1x128xi32> to vector<1x128xi32>
    %broadcast_in_dim3A_269 = vector.broadcast %broadcast_in_dim3A_268 : vector<1x128xi32> to vector<8x128xi32>
    %select_n3A_270 = arith.select %eq3A_267, %broadcast_in_dim3A_269, %select_n3A_224 : vector<8x128xi1>, vector<8x128xi32>
    %get3A_271 = arith.constant 6 : index
    %get3A_272 = arith.constant 0 : index
    %get3A_273 = arith.constant 0 : index
    %get3A_274 = vector.load %arg0[%get3A_271, %get3A_272, %get3A_273] : memref<8x128x128xf32, #tpu.memory_space<vmem>>, vector<1x128x128xf32>
    %get3A_275 = vector.shape_cast %get3A_274 : vector<1x128x128xf32> to vector<128x128xf32>
    %broadcast_in_dim3A_276 = arith.constant 0x7F800000 : f32
    %broadcast_in_dim3A_277 = vector.broadcast %broadcast_in_dim3A_276 : f32 to vector<1x128xf32>
    %broadcast_in_dim3A_278 = arith.constant -1 : i32
    %broadcast_in_dim3A_279 = vector.broadcast %broadcast_in_dim3A_278 : i32 to vector<1x128xi32>
    %add3A_280 = arith.constant 768 : i32
    %add3A_281 = vector.broadcast %add3A_280 : i32 to vector<128x128xi32>
    %add3A_282 = arith.addi %iota3A_2, %add3A_281 : vector<128x128xi32>
    %lt3A_283 = vector.broadcast %broadcast_in_dim3A_277 : vector<1x128xf32> to vector<128x128xf32>
    %lt3A_284 = arith.cmpf olt, %get3A_275, %lt3A_283 : vector<128x128xf32>
    %eq3A_285 = vector.broadcast %broadcast_in_dim3A_277 : vector<1x128xf32> to vector<128x128xf32>
    %eq3A_286 = arith.cmpf oeq, %get3A_275, %eq3A_285 : vector<128x128xf32>
    %gt3A_287 = vector.broadcast %broadcast_in_dim3A_279 : vector<1x128xi32> to vector<128x128xi32>
    %gt3A_288 = arith.cmpi sgt, %add3A_282, %gt3A_287 : vector<128x128xi32>
    %and3A_289 = arith.andi %eq3A_286, %gt3A_288 : vector<128x128xi1>
    %or3A_290 = arith.ori %lt3A_284, %and3A_289 : vector<128x128xi1>
    %jit3A_291 = arith.constant 0xFF800000 : f32
    %broadcast_in_dim3A_292 = vector.broadcast %jit3A_291 : f32 to vector<128x128xf32>
    %select_n3A_293 = arith.select %or3A_290, %get3A_275, %broadcast_in_dim3A_292 : vector<128x128xi1>, vector<128x128xf32>
    %reduce_max3A_294 = arith.constant dense<0xFF800000> : vector<128xf32>
    %reduce_max3A_295 = vector.multi_reduction <maximumf>, %select_n3A_293, %reduce_max3A_294 [0] : vector<128x128xf32> to vector<128xf32>
    %broadcast_in_dim3A_296 = vector.shape_cast %reduce_max3A_295 : vector<128xf32> to vector<1x128xf32>
    %eq3A_297 = vector.broadcast %broadcast_in_dim3A_296 : vector<1x128xf32> to vector<128x128xf32>
    %eq3A_298 = arith.cmpf oeq, %select_n3A_293, %eq3A_297 : vector<128x128xf32>
    %jit3A_299 = arith.constant 1073741824 : i32
    %broadcast_in_dim3A_300 = vector.broadcast %jit3A_299 : i32 to vector<128x128xi32>
    %select_n3A_301 = arith.select %eq3A_298, %add3A_282, %broadcast_in_dim3A_300 : vector<128x128xi1>, vector<128x128xi32>
    %reduce_min3A_302 = arith.constant dense<2147483647> : vector<128xi32>
    %reduce_min3A_303 = vector.multi_reduction <minsi>, %select_n3A_301, %reduce_min3A_302 [0] : vector<128x128xi32> to vector<128xi32>
    %broadcast_in_dim3A_304 = vector.shape_cast %reduce_min3A_303 : vector<128xi32> to vector<1x128xi32>
    %eq3A_305 = arith.constant 6 : i32
    %eq3A_306 = vector.broadcast %eq3A_305 : i32 to vector<8x128xi32>
    %eq3A_307 = arith.cmpi eq, %iota3A_1, %eq3A_306 : vector<8x128xi32>
    %broadcast_in_dim3A_308 = vector.shape_cast %broadcast_in_dim3A_296 : vector<1x128xf32> to vector<1x128xf32>
    %broadcast_in_dim3A_309 = vector.broadcast %broadcast_in_dim3A_308 : vector<1x128xf32> to vector<8x128xf32>
    %select_n3A_310 = arith.select %eq3A_307, %broadcast_in_dim3A_309, %select_n3A_264 : vector<8x128xi1>, vector<8x128xf32>
    %eq3A_311 = arith.constant 6 : i32
    %eq3A_312 = vector.broadcast %eq3A_311 : i32 to vector<8x128xi32>
    %eq3A_313 = arith.cmpi eq, %iota3A_1, %eq3A_312 : vector<8x128xi32>
    %broadcast_in_dim3A_314 = vector.shape_cast %broadcast_in_dim3A_304 : vector<1x128xi32> to vector<1x128xi32>
    %broadcast_in_dim3A_315 = vector.broadcast %broadcast_in_dim3A_314 : vector<1x128xi32> to vector<8x128xi32>
    %select_n3A_316 = arith.select %eq3A_313, %broadcast_in_dim3A_315, %select_n3A_270 : vector<8x128xi1>, vector<8x128xi32>
    %get3A_317 = arith.constant 7 : index
    %get3A_318 = arith.constant 0 : index
    %get3A_319 = arith.constant 0 : index
    %get3A_320 = vector.load %arg0[%get3A_317, %get3A_318, %get3A_319] : memref<8x128x128xf32, #tpu.memory_space<vmem>>, vector<1x128x128xf32>
    %get3A_321 = vector.shape_cast %get3A_320 : vector<1x128x128xf32> to vector<128x128xf32>
    %broadcast_in_dim3A_322 = arith.constant 0x7F800000 : f32
    %broadcast_in_dim3A_323 = vector.broadcast %broadcast_in_dim3A_322 : f32 to vector<1x128xf32>
    %broadcast_in_dim3A_324 = arith.constant -1 : i32
    %broadcast_in_dim3A_325 = vector.broadcast %broadcast_in_dim3A_324 : i32 to vector<1x128xi32>
    %add3A_326 = arith.constant 896 : i32
    %add3A_327 = vector.broadcast %add3A_326 : i32 to vector<128x128xi32>
    %add3A_328 = arith.addi %iota3A_2, %add3A_327 : vector<128x128xi32>
    %lt3A_329 = vector.broadcast %broadcast_in_dim3A_323 : vector<1x128xf32> to vector<128x128xf32>
    %lt3A_330 = arith.cmpf olt, %get3A_321, %lt3A_329 : vector<128x128xf32>
    %eq3A_331 = vector.broadcast %broadcast_in_dim3A_323 : vector<1x128xf32> to vector<128x128xf32>
    %eq3A_332 = arith.cmpf oeq, %get3A_321, %eq3A_331 : vector<128x128xf32>
    %gt3A_333 = vector.broadcast %broadcast_in_dim3A_325 : vector<1x128xi32> to vector<128x128xi32>
    %gt3A_334 = arith.cmpi sgt, %add3A_328, %gt3A_333 : vector<128x128xi32>
    %and3A_335 = arith.andi %eq3A_332, %gt3A_334 : vector<128x128xi1>
    %or3A_336 = arith.ori %lt3A_330, %and3A_335 : vector<128x128xi1>
    %jit3A_337 = arith.constant 0xFF800000 : f32
    %broadcast_in_dim3A_338 = vector.broadcast %jit3A_337 : f32 to vector<128x128xf32>
    %select_n3A_339 = arith.select %or3A_336, %get3A_321, %broadcast_in_dim3A_338 : vector<128x128xi1>, vector<128x128xf32>
    %reduce_max3A_340 = arith.constant dense<0xFF800000> : vector<128xf32>
    %reduce_max3A_341 = vector.multi_reduction <maximumf>, %select_n3A_339, %reduce_max3A_340 [0] : vector<128x128xf32> to vector<128xf32>
    %broadcast_in_dim3A_342 = vector.shape_cast %reduce_max3A_341 : vector<128xf32> to vector<1x128xf32>
    %eq3A_343 = vector.broadcast %broadcast_in_dim3A_342 : vector<1x128xf32> to vector<128x128xf32>
    %eq3A_344 = arith.cmpf oeq, %select_n3A_339, %eq3A_343 : vector<128x128xf32>
    %jit3A_345 = arith.constant 1073741824 : i32
    %broadcast_in_dim3A_346 = vector.broadcast %jit3A_345 : i32 to vector<128x128xi32>
    %select_n3A_347 = arith.select %eq3A_344, %add3A_328, %broadcast_in_dim3A_346 : vector<128x128xi1>, vector<128x128xi32>
    %reduce_min3A_348 = arith.constant dense<2147483647> : vector<128xi32>
    %reduce_min3A_349 = vector.multi_reduction <minsi>, %select_n3A_347, %reduce_min3A_348 [0] : vector<128x128xi32> to vector<128xi32>
    %broadcast_in_dim3A_350 = vector.shape_cast %reduce_min3A_349 : vector<128xi32> to vector<1x128xi32>
    %eq3A_351 = arith.constant 7 : i32
    %eq3A_352 = vector.broadcast %eq3A_351 : i32 to vector<8x128xi32>
    %eq3A_353 = arith.cmpi eq, %iota3A_1, %eq3A_352 : vector<8x128xi32>
    %broadcast_in_dim3A_354 = vector.shape_cast %broadcast_in_dim3A_342 : vector<1x128xf32> to vector<1x128xf32>
    %broadcast_in_dim3A_355 = vector.broadcast %broadcast_in_dim3A_354 : vector<1x128xf32> to vector<8x128xf32>
    %select_n3A_356 = arith.select %eq3A_353, %broadcast_in_dim3A_355, %select_n3A_310 : vector<8x128xi1>, vector<8x128xf32>
    %eq3A_357 = arith.constant 7 : i32
    %eq3A_358 = vector.broadcast %eq3A_357 : i32 to vector<8x128xi32>
    %eq3A_359 = arith.cmpi eq, %iota3A_1, %eq3A_358 : vector<8x128xi32>
    %broadcast_in_dim3A_360 = vector.shape_cast %broadcast_in_dim3A_350 : vector<1x128xi32> to vector<1x128xi32>
    %broadcast_in_dim3A_361 = vector.broadcast %broadcast_in_dim3A_360 : vector<1x128xi32> to vector<8x128xi32>
    %select_n3A_362 = arith.select %eq3A_359, %broadcast_in_dim3A_361, %select_n3A_316 : vector<8x128xi1>, vector<8x128xi32>
    %broadcast_in_dim3A_363 = arith.constant 0x7F800000 : f32
    %broadcast_in_dim3A_364 = vector.broadcast %broadcast_in_dim3A_363 : f32 to vector<8x128xf32>
    %broadcast_in_dim3A_365 = arith.constant -1 : i32
    %broadcast_in_dim3A_366 = vector.broadcast %broadcast_in_dim3A_365 : i32 to vector<8x128xi32>
    %broadcast_in_dim3A_367 = arith.constant 0 : i32
    %broadcast_in_dim3A_368 = vector.broadcast %broadcast_in_dim3A_367 : i32 to vector<1x128xi32>
    %scan3A = arith.constant 0 : i32
    %scan3A_369 = arith.constant 100 : i32
    %scan3A_370 = arith.addi %scan3A, %scan3A_369 : i32
    %scan3A_371 = arith.constant 1 : i32
    %scan3A_372:5 = scf.for %scan3A_376 = %scan3A to %scan3A_370 step %scan3A_371 iter_args(%scan3A_377 = %select_n3A_356, %scan3A_378 = %select_n3A_362, %scan3A_379 = %broadcast_in_dim3A_364, %scan3A_380 = %broadcast_in_dim3A_366, %scan3A_381 = %broadcast_in_dim3A_368) -> (vector<8x128xf32>, vector<8x128xi32>, vector<8x128xf32>, vector<8x128xi32>, vector<1x128xi32>)  : i32 {
      %reduce_max3A_382 = vector.shape_cast %scan3A_377 : vector<8x128xf32> to vector<1x8x128xf32>
      %reduce_max3A_383 = arith.constant dense<0xFF800000> : vector<1xf32>
      %reduce_max3A_384 = vector.multi_reduction <maximumf>, %reduce_max3A_382, %reduce_max3A_383 [1, 2] : vector<1x8x128xf32> to vector<1xf32>
      %reduce_max3A_385 = vector.shape_cast %reduce_max3A_384 : vector<1xf32> to vector<1x1x1xf32>
      %reduce_max3A_386 = vector.extract %reduce_max3A_385[0, 0, 0] : f32 from vector<1x1x1xf32>
      %eq3A_387 = vector.broadcast %reduce_max3A_386 : f32 to vector<8x128xf32>
      %eq3A_388 = arith.cmpf oeq, %scan3A_377, %eq3A_387 : vector<8x128xf32>
      %mul3A = arith.constant 128 : i32
      %mul3A_389 = vector.broadcast %mul3A : i32 to vector<8x128xi32>
      %mul3A_390 = arith.muli %scan3A_378, %mul3A_389 : vector<8x128xi32>
      %add3A_391 = arith.addi %mul3A_390, %iota3A_0 : vector<8x128xi32>
      %jit3A_392 = arith.constant 1073741824 : i32
      %broadcast_in_dim3A_393 = vector.broadcast %jit3A_392 : i32 to vector<8x128xi32>
      %select_n3A_394 = arith.select %eq3A_388, %add3A_391, %broadcast_in_dim3A_393 : vector<8x128xi1>, vector<8x128xi32>
      %reduce_min3A_395 = vector.shape_cast %select_n3A_394 : vector<8x128xi32> to vector<1x8x128xi32>
      %reduce_min3A_396 = arith.constant dense<2147483647> : vector<1xi32>
      %reduce_min3A_397 = vector.multi_reduction <minsi>, %reduce_min3A_395, %reduce_min3A_396 [1, 2] : vector<1x8x128xi32> to vector<1xi32>
      %reduce_min3A_398 = vector.shape_cast %reduce_min3A_397 : vector<1xi32> to vector<1x1x1xi32>
      %reduce_min3A_399 = vector.extract %reduce_min3A_398[0, 0, 0] : i32 from vector<1x1x1xi32>
      %eq3A_400 = vector.broadcast %scan3A_376 : i32 to vector<1x128xi32>
      %eq3A_401 = arith.cmpi eq, %iota3A, %eq3A_400 : vector<1x128xi32>
      %broadcast_in_dim3A_402 = vector.broadcast %reduce_min3A_399 : i32 to vector<1x128xi32>
      %select_n3A_403 = arith.select %eq3A_401, %broadcast_in_dim3A_402, %scan3A_381 : vector<1x128xi1>, vector<1x128xi32>
      %jit3A_404 = arith.constant 16384 : i32
      %div3A = arith.divsi %reduce_min3A_399, %jit3A_404 : i32
      %sign3A = arith.constant 0 : i32
      %sign3A_405 = arith.cmpi sgt, %reduce_min3A_399, %sign3A : i32
      %sign3A_406 = arith.extui %sign3A_405 : i1 to i32
      %sign3A_407 = arith.constant 0 : i32
      %sign3A_408 = arith.cmpi slt, %reduce_min3A_399, %sign3A_407 : i32
      %sign3A_409 = arith.extui %sign3A_408 : i1 to i32
      %sign3A_410 = arith.subi %sign3A_406, %sign3A_409 : i32
      %sign3A_411 = arith.constant 0 : i32
      %sign3A_412 = arith.cmpi sgt, %jit3A_404, %sign3A_411 : i32
      %sign3A_413 = arith.extui %sign3A_412 : i1 to i32
      %sign3A_414 = arith.constant 0 : i32
      %sign3A_415 = arith.cmpi slt, %jit3A_404, %sign3A_414 : i32
      %sign3A_416 = arith.extui %sign3A_415 : i1 to i32
      %sign3A_417 = arith.subi %sign3A_413, %sign3A_416 : i32
      %ne3A = arith.cmpi ne, %sign3A_410, %sign3A_417 : i32
      %rem3A = arith.remsi %reduce_min3A_399, %jit3A_404 : i32
      %ne3A_418 = arith.constant 0 : i32
      %ne3A_419 = arith.cmpi ne, %rem3A, %ne3A_418 : i32
      %and3A_420 = arith.andi %ne3A, %ne3A_419 : i1
      %sub3A = arith.constant 1 : i32
      %sub3A_421 = arith.subi %div3A, %sub3A : i32
      %select_n3A_422 = arith.select %and3A_420, %sub3A_421, %div3A : i32
      %eq3A_423 = vector.broadcast %select_n3A_422 : i32 to vector<8x128xi32>
      %eq3A_424 = arith.cmpi eq, %iota3A_1, %eq3A_423 : vector<8x128xi32>
      %jit3A_425 = arith.constant 128 : i32
      %eq3A_426 = arith.constant 0 : i32
      %eq3A_427 = arith.cmpi eq, %jit3A_425, %eq3A_426 : i32
      %jit3A_428 = arith.constant 1 : i32
      %select_n3A_429 = arith.select %eq3A_427, %jit3A_428, %jit3A_425 : i32
      %rem3A_430 = arith.remsi %reduce_min3A_399, %select_n3A_429 : i32
      %ne3A_431 = arith.constant 0 : i32
      %ne3A_432 = arith.cmpi ne, %rem3A_430, %ne3A_431 : i32
      %lt3A_433 = arith.constant 0 : i32
      %lt3A_434 = arith.cmpi slt, %rem3A_430, %lt3A_433 : i32
      %lt3A_435 = arith.constant 0 : i32
      %lt3A_436 = arith.cmpi slt, %select_n3A_429, %lt3A_435 : i32
      %ne3A_437 = arith.xori %lt3A_434, %lt3A_436 : i1
      %and3A_438 = arith.andi %ne3A_437, %ne3A_432 : i1
      %add3A_439 = arith.addi %rem3A_430, %select_n3A_429 : i32
      %select_n3A_440 = arith.select %and3A_438, %add3A_439, %rem3A_430 : i32
      %eq3A_441 = vector.broadcast %select_n3A_440 : i32 to vector<8x128xi32>
      %eq3A_442 = arith.cmpi eq, %iota3A_0, %eq3A_441 : vector<8x128xi32>
      %and3A_443 = arith.andi %eq3A_424, %eq3A_442 : vector<8x128xi1>
      %broadcast_in_dim3A_444 = vector.broadcast %reduce_max3A_386 : f32 to vector<8x128xf32>
      %select_n3A_445 = arith.select %and3A_443, %broadcast_in_dim3A_444, %scan3A_379 : vector<8x128xi1>, vector<8x128xf32>
      %jit3A_446 = arith.constant 128 : i32
      %div3A_447 = arith.divsi %reduce_min3A_399, %jit3A_446 : i32
      %sign3A_448 = arith.constant 0 : i32
      %sign3A_449 = arith.cmpi sgt, %reduce_min3A_399, %sign3A_448 : i32
      %sign3A_450 = arith.extui %sign3A_449 : i1 to i32
      %sign3A_451 = arith.constant 0 : i32
      %sign3A_452 = arith.cmpi slt, %reduce_min3A_399, %sign3A_451 : i32
      %sign3A_453 = arith.extui %sign3A_452 : i1 to i32
      %sign3A_454 = arith.subi %sign3A_450, %sign3A_453 : i32
      %sign3A_455 = arith.constant 0 : i32
      %sign3A_456 = arith.cmpi sgt, %jit3A_446, %sign3A_455 : i32
      %sign3A_457 = arith.extui %sign3A_456 : i1 to i32
      %sign3A_458 = arith.constant 0 : i32
      %sign3A_459 = arith.cmpi slt, %jit3A_446, %sign3A_458 : i32
      %sign3A_460 = arith.extui %sign3A_459 : i1 to i32
      %sign3A_461 = arith.subi %sign3A_457, %sign3A_460 : i32
      %ne3A_462 = arith.cmpi ne, %sign3A_454, %sign3A_461 : i32
      %rem3A_463 = arith.remsi %reduce_min3A_399, %jit3A_446 : i32
      %ne3A_464 = arith.constant 0 : i32
      %ne3A_465 = arith.cmpi ne, %rem3A_463, %ne3A_464 : i32
      %and3A_466 = arith.andi %ne3A_462, %ne3A_465 : i1
      %sub3A_467 = arith.constant 1 : i32
      %sub3A_468 = arith.subi %div3A_447, %sub3A_467 : i32
      %select_n3A_469 = arith.select %and3A_466, %sub3A_468, %div3A_447 : i32
      %broadcast_in_dim3A_470 = vector.broadcast %select_n3A_469 : i32 to vector<8x128xi32>
      %select_n3A_471 = arith.select %and3A_443, %broadcast_in_dim3A_470, %scan3A_380 : vector<8x128xi1>, vector<8x128xi32>
      %get3A_472 = arith.index_cast %select_n3A_422 : i32 to index
      %get3A_473 = arith.constant 0 : index
      %get3A_474 = arith.constant 0 : index
      %get3A_475 = vector.load %arg0[%get3A_472, %get3A_473, %get3A_474] : memref<8x128x128xf32, #tpu.memory_space<vmem>>, vector<1x128x128xf32>
      %reshape3A = vector.shape_cast %get3A_475 : vector<1x128x128xf32> to vector<128x128xf32>
      %eq3A_476 = vector.broadcast %select_n3A_422 : i32 to vector<8x128xi32>
      %eq3A_477 = arith.cmpi eq, %iota3A_1, %eq3A_476 : vector<8x128xi32>
      %jit3A_478 = arith.constant 0xFF800000 : f32
      %broadcast_in_dim3A_479 = vector.broadcast %jit3A_478 : f32 to vector<8x128xf32>
      %select_n3A_480 = arith.select %eq3A_477, %select_n3A_445, %broadcast_in_dim3A_479 : vector<8x128xi1>, vector<8x128xf32>
      %reduce_max3A_481 = arith.constant dense<0xFF800000> : vector<128xf32>
      %reduce_max3A_482 = vector.multi_reduction <maximumf>, %select_n3A_480, %reduce_max3A_481 [0] : vector<8x128xf32> to vector<128xf32>
      %broadcast_in_dim3A_483 = vector.shape_cast %reduce_max3A_482 : vector<128xf32> to vector<1x128xf32>
      %eq3A_484 = vector.broadcast %select_n3A_422 : i32 to vector<8x128xi32>
      %eq3A_485 = arith.cmpi eq, %iota3A_1, %eq3A_484 : vector<8x128xi32>
      %jit3A_486 = arith.constant -1073741824 : i32
      %broadcast_in_dim3A_487 = vector.broadcast %jit3A_486 : i32 to vector<8x128xi32>
      %select_n3A_488 = arith.select %eq3A_485, %select_n3A_471, %broadcast_in_dim3A_487 : vector<8x128xi1>, vector<8x128xi32>
      %reduce_max3A_489 = arith.constant dense<-2147483648> : vector<128xi32>
      %reduce_max3A_490 = vector.multi_reduction <maxsi>, %select_n3A_488, %reduce_max3A_489 [0] : vector<8x128xi32> to vector<128xi32>
      %broadcast_in_dim3A_491 = vector.shape_cast %reduce_max3A_490 : vector<128xi32> to vector<1x128xi32>
      %mul3A_492 = arith.constant 128 : i32
      %mul3A_493 = arith.muli %select_n3A_422, %mul3A_492 : i32
      %add3A_494 = vector.broadcast %mul3A_493 : i32 to vector<128x128xi32>
      %add3A_495 = arith.addi %iota3A_2, %add3A_494 : vector<128x128xi32>
      %lt3A_496 = vector.broadcast %broadcast_in_dim3A_483 : vector<1x128xf32> to vector<128x128xf32>
      %lt3A_497 = arith.cmpf olt, %reshape3A, %lt3A_496 : vector<128x128xf32>
      %eq3A_498 = vector.broadcast %broadcast_in_dim3A_483 : vector<1x128xf32> to vector<128x128xf32>
      %eq3A_499 = arith.cmpf oeq, %reshape3A, %eq3A_498 : vector<128x128xf32>
      %gt3A_500 = vector.broadcast %broadcast_in_dim3A_491 : vector<1x128xi32> to vector<128x128xi32>
      %gt3A_501 = arith.cmpi sgt, %add3A_495, %gt3A_500 : vector<128x128xi32>
      %and3A_502 = arith.andi %eq3A_499, %gt3A_501 : vector<128x128xi1>
      %or3A_503 = arith.ori %lt3A_497, %and3A_502 : vector<128x128xi1>
      %jit3A_504 = arith.constant 0xFF800000 : f32
      %broadcast_in_dim3A_505 = vector.broadcast %jit3A_504 : f32 to vector<128x128xf32>
      %select_n3A_506 = arith.select %or3A_503, %reshape3A, %broadcast_in_dim3A_505 : vector<128x128xi1>, vector<128x128xf32>
      %reduce_max3A_507 = arith.constant dense<0xFF800000> : vector<128xf32>
      %reduce_max3A_508 = vector.multi_reduction <maximumf>, %select_n3A_506, %reduce_max3A_507 [0] : vector<128x128xf32> to vector<128xf32>
      %broadcast_in_dim3A_509 = vector.shape_cast %reduce_max3A_508 : vector<128xf32> to vector<1x128xf32>
      %eq3A_510 = vector.broadcast %broadcast_in_dim3A_509 : vector<1x128xf32> to vector<128x128xf32>
      %eq3A_511 = arith.cmpf oeq, %select_n3A_506, %eq3A_510 : vector<128x128xf32>
      %jit3A_512 = arith.constant 1073741824 : i32
      %broadcast_in_dim3A_513 = vector.broadcast %jit3A_512 : i32 to vector<128x128xi32>
      %select_n3A_514 = arith.select %eq3A_511, %add3A_495, %broadcast_in_dim3A_513 : vector<128x128xi1>, vector<128x128xi32>
      %reduce_min3A_515 = arith.constant dense<2147483647> : vector<128xi32>
      %reduce_min3A_516 = vector.multi_reduction <minsi>, %select_n3A_514, %reduce_min3A_515 [0] : vector<128x128xi32> to vector<128xi32>
      %broadcast_in_dim3A_517 = vector.shape_cast %reduce_min3A_516 : vector<128xi32> to vector<1x128xi32>
      %eq3A_518 = vector.broadcast %select_n3A_422 : i32 to vector<8x128xi32>
      %eq3A_519 = arith.cmpi eq, %iota3A_1, %eq3A_518 : vector<8x128xi32>
      %broadcast_in_dim3A_520 = vector.shape_cast %broadcast_in_dim3A_509 : vector<1x128xf32> to vector<1x128xf32>
      %broadcast_in_dim3A_521 = vector.broadcast %broadcast_in_dim3A_520 : vector<1x128xf32> to vector<8x128xf32>
      %select_n3A_522 = arith.select %eq3A_519, %broadcast_in_dim3A_521, %scan3A_377 : vector<8x128xi1>, vector<8x128xf32>
      %eq3A_523 = vector.broadcast %select_n3A_422 : i32 to vector<8x128xi32>
      %eq3A_524 = arith.cmpi eq, %iota3A_1, %eq3A_523 : vector<8x128xi32>
      %broadcast_in_dim3A_525 = vector.shape_cast %broadcast_in_dim3A_517 : vector<1x128xi32> to vector<1x128xi32>
      %broadcast_in_dim3A_526 = vector.broadcast %broadcast_in_dim3A_525 : vector<1x128xi32> to vector<8x128xi32>
      %select_n3A_527 = arith.select %eq3A_524, %broadcast_in_dim3A_526, %scan3A_378 : vector<8x128xi1>, vector<8x128xi32>
      scf.yield %select_n3A_522, %select_n3A_527, %select_n3A_445, %select_n3A_471, %select_n3A_403 : vector<8x128xf32>, vector<8x128xi32>, vector<8x128xf32>, vector<8x128xi32>, vector<1x128xi32>
    }
    %scan3A_373 = arith.constant 100 : i32
    %swap3A = arith.constant 0 : index
    %swap3A_374 = arith.constant 0 : index
    %swap3A_375 = vector.load %arg1[%swap3A, %swap3A_374] : memref<1x128xi32, #tpu.memory_space<vmem>>, vector<1x128xi32>
    tpu.vector_store %arg1[%swap3A, %swap3A_374], %scan3A_372#4 {strides = array<i32>} : memref<1x128xi32, #tpu.memory_space<vmem>>, vector<1x128xi32>,
    return
  }
}

</mosaic_0001>

<sc_bundles>
// kernel: kernel.5.cloned.1.call-start
scs
__scs_entry_jumppad:
0x0: {  	(pc) =	sbr.rel $0x88, $3  }
0x1: {  	(tag) =	ssettag $0x0;
	lr =	simm.s32 $0x1  }
0x2: {  	[smem:$0x3F92] =	sst lr;
	_ =	strace $0xD0000000  }
0x3: {  	_ = 	snop  }
0x4: {  	_ = 	snop  }
0x5: {  	_ = 	snop  }
0x6: {  	_ = 	snop  }
0x7: {  	_ = 	snop  }
__scs_overlays_trampoline_lowered:
0x8: {  	[smem:$0x3FA1] =	sst s0  }
0x9: {  	[smem:$0x3FA2] =	sst s1  }
0xa: {  	[smem:$0x3FA3] =	sst s2  }
0xb: {  	[smem:$0x3FA4] =	sst s3  }
0xc: {  	[smem:$0x3FA5] =	sst s4  }
0xd: {  	[smem:$0x3FA6] =	sst s5  }
0xe: {  	[smem:$0x3FA7] =	sst s6  }
0xf: {  	[smem:$0x3FA8] =	sst s7  }
0x10: {  	[smem:$0x3FA9] =	sst s8  }
0x11: {  	[smem:$0x3FAA] =	sst s9;
	s0 =	simm.s32 @!p0 $0x0  }
0x12: {  	s1 =	sld [smem:$0x3F90];
	s0 =	simm.s32 @p0 $0x1  }
0x13: {  	[smem:$0x3FAB] =	sst s0;
	s0 =	simm.s32 @!p1 $0x0  }
0x14: {  	s2 =	sld [smem:$0x3F8F];
	s0 =	simm.s32 @p1 $0x1  }
0x15: {  	[smem:$0x3FAC] =	sst s0;
	s0 =	simm.s32 @!p2 $0x0  }
0x16: {  	s3 =	sld [smem:$0x3FDB];
	s0 =	simm.s32 @p2 $0x1  }
0x17: {  	s4 =	simm.s32 $0x1BF5;
	[smem:$0x3FAE] =	sst s0  }
0x18: {  	s0 =	sld [smem:$0x3F91];
	_ =	swait.ge [sflag:s4], $0x0  }
0x19: {  	s7 =	sld [smem:$0x3F92]  }
0x1a: {  	s8 =	sadd.s32 $0xFFFFE003, lr  }
0x1b: {  	s9 =	sadd.s32 $0xFFFFFEF7, lr;
	s5 =	simm.s32 $0xFFFFFFFF;
	p2 =	slt.u32 s8, $0xFFFFF086  }
0x1c: {  	p1 =	slt.u32 s9, $0xF7A;
	s5 =	simm.s32 @!p2 $0x0  }
0x1d: {  	s5 =	simm.s32 @p1 $0x1;
	p0 =	seq.s32 s7, s2  }
0x1e: {  	s7 =	smul.u32 @!p0 $0xF7A, s2;
	p2 =	seq.s32 @!p0 s5, $0x0  }
0x1f: {  	s9 =	smul.u32 $0xF7A, s1;
	s8 =	simm.s32 @!p0 $0x1BF5;
	p2 =	por !p2, p0  }
0x20: {  	[sflag:s8] =	ssyncset.s32 @!p0 $0xFFFFF086;
	s6 =	sadd.s32 @!p0 s3, s7;
	s7 =	simm.s32 @!p0 $0x108  }
0x21: {  	s3 =	sadd.s32 s3, s9;
	s6 =	sadd.s32 @!p0 $0x88, s6;
	s7 =	simm.s32 @p2 $0x1082  }
0x22: {  	[simem:s7], [sflag:s8] =	dma.local @!p0 [hbm:s6], $0xF7A  }
0x23: {  	s9 =	sor.u32 $0xD0000000, s2;
	s6 =	simm.s32 $0x108;
	_ =	swait.ge @!p0 [sflag:s8], $0x0  }
0x24: {  	s3 =	sadd.s32 $0x88, s3;
	s6 =	simm.s32 @!p1 $0x1082;
	[sflag:s4] =	ssyncset.s32 $0xFFFFF086  }
0x25: {  	[simem:s6], [sflag:s4] =	dma.local [hbm:s3], $0xF7A  }
0x26: {  	[smem:$0x3F92] =	sst s1;
	(tag) =	ssettag s2;
	_ =	strace s9  }
0x27: {  	s1 =	sld [smem:$0x3FA2]  }
0x28: {  	s2 =	sld [smem:$0x3FA3]  }
0x29: {  	s4 =	sld [smem:$0x3FA5]  }
0x2a: {  	p0 =	seq.s32 s5, $0x0;
	s5 =	sld [smem:$0x3FA6]  }
0x2b: {  	s6 =	sld [smem:$0x3FA7]  }
0x2c: {  	s7 =	sld [smem:$0x3FA8]  }
0x2d: {  	s3 =	simm.s32 $0x108;
	s8 =	sld [smem:$0x3FA9]  }
0x2e: {  	s3 =	simm.s32 @!p0 $0x1082;
	s9 =	sld [smem:$0x3FAA]  }
0x2f: {  	lr =	sadd.s32 s0, s3;
	s0 =	sld [smem:$0x3FA1]  }
0x30: {  	s3 =	sld [smem:$0x3FA4]  }
0x31: {  	[smem:$0x3FAD] =	sst s10  }
0x32: {  	s10 =	sld [smem:$0x3FAB];
	_ =	sdelay $0x3  }
0x33: {  	p0 =	seq.s32 s10, $0x1;
	s10 =	sld [smem:$0x3FAD];
	_ =	sdelay $0x3  }
0x34: {  	[smem:$0x3FAD] =	sst s10  }
0x35: {  	s10 =	sld [smem:$0x3FAC];
	_ =	sdelay $0x3  }
0x36: {  	p1 =	seq.s32 s10, $0x1;
	s10 =	sld [smem:$0x3FAD];
	_ =	sdelay $0x3  }
0x37: {  	[smem:$0x3FAD] =	sst s10  }
0x38: {  	s10 =	sld [smem:$0x3FAE]  }
0x39: {  	_ = 	snop;
	(pc) =	sbr.ind lr, $3  }
0x3a: {  	_ = 	snop  }
0x3b: {  	_ = 	snop  }
0x3c: {  	p2 =	seq.s32 s10, $0x1;
	s10 =	sld [smem:$0x3FAD]  }
0x3d: {  	_ =	shalt  }
0x3e: {  	_ =	shalt  }
0x3f: {  	_ =	shalt  }
0x40: {  	_ =	shalt  }
0x41: {  	_ =	shalt  }
0x42: {  	_ =	shalt  }
0x43: {  	_ =	shalt  }
0x44: {  	_ =	shalt  }
0x45: {  	_ =	shalt  }
0x46: {  	_ =	shalt  }
0x47: {  	_ =	shalt  }
0x48: {  	_ =	shalt  }
0x49: {  	_ =	shalt  }
0x4a: {  	_ =	shalt  }
0x4b: {  	_ =	shalt  }
0x4c: {  	_ =	shalt  }
0x4d: {  	_ =	shalt  }
0x4e: {  	_ =	shalt  }
0x4f: {  	_ =	shalt  }
0x50: {  	_ =	shalt  }
0x51: {  	_ =	shalt  }
0x52: {  	_ =	shalt  }
0x53: {  	_ =	shalt  }
0x54: {  	_ =	shalt  }
0x55: {  	_ =	shalt  }
0x56: {  	_ =	shalt  }
0x57: {  	_ =	shalt  }
0x58: {  	_ =	shalt  }
0x59: {  	_ =	shalt  }
0x5a: {  	_ =	shalt  }
0x5b: {  	_ =	shalt  }
0x5c: {  	_ =	shalt  }
0x5d: {  	_ =	shalt  }
0x5e: {  	_ =	shalt  }
0x5f: {  	_ =	shalt  }
0x60: {  	_ =	shalt  }
0x61: {  	_ =	shalt  }
0x62: {  	_ =	shalt  }
0x63: {  	_ =	shalt  }
0x64: {  	_ =	shalt  }
0x65: {  	_ =	shalt  }
0x66: {  	_ =	shalt  }
0x67: {  	_ =	shalt  }
0x68: {  	_ =	shalt  }
0x69: {  	_ =	shalt  }
0x6a: {  	_ =	shalt  }
0x6b: {  	_ =	shalt  }
0x6c: {  	_ =	shalt  }
0x6d: {  	_ =	shalt  }
0x6e: {  	_ =	shalt  }
0x6f: {  	_ =	shalt  }
0x70: {  	_ =	shalt  }
0x71: {  	_ =	shalt  }
0x72: {  	_ =	shalt  }
0x73: {  	_ =	shalt  }
0x74: {  	_ =	shalt  }
0x75: {  	_ =	shalt  }
0x76: {  	_ =	shalt  }
0x77: {  	_ =	shalt  }
0x78: {  	_ =	shalt  }
0x79: {  	_ =	shalt  }
0x7a: {  	_ =	shalt  }
0x7b: {  	_ =	shalt  }
0x7c: {  	_ =	shalt  }
0x7d: {  	_ =	shalt  }
0x7e: {  	_ =	shalt  }
0x7f: {  	_ =	shalt  }
0x80: {  	_ =	shalt  }
0x81: {  	_ =	shalt  }
0x82: {  	_ =	shalt  }
0x83: {  	_ =	shalt  }
0x84: {  	_ =	shalt  }
0x85: {  	_ =	shalt  }
0x86: {  	_ =	shalt  }
0x87: {  	_ =	shalt  }
.Lfunc_end0:
.L_simem_size_0:
called_computation_lowered:
.L_overlay_start_0:
0x88: {  	s2 =	sld [smem:$0x3FD9]  }
0x89: {  	s3 =	sld [smem:$0x3FFE];
	_ =	sdelay $0x1  }
0x8a: {  	s1 =	srdreg.scid  }
0x8b: {  	s0 =	sand.u32 $0x1, s1  }
0x8c: {  	s14 =	sshll.u32 s0, $0xA;
	s2 =	sadd.s32 s3, s2  }
0x8d: {  	s2 =	sadd.s32 s2, s14  }
0x8e: {  	[smem:$0x3FB9] =	sst s2  }
0x8f: {  	_ = 	snop  }
0x90: {  	s2 =	sld [smem:$0x3FD0];
	_ =	sdelay $0x2  }
0x91: {  	s4 =	simm.s32 $0xA;
	s5 =	simm.s32 $0x10;
	s15 =	sld [smem:$0x3FC8]  }
0x92: {  	[smem:s5], [sflag:s4] =	dma.local [hbm:s2], $0x1  }
0x93: {  	_ =	swait.eq [sflag:s4], $0x1  }
0x94: {  	[sflag:s4] =	ssyncset.done $0x0  }
0x95: {  	[sflag:s4] =	ssyncadd.s32 $0xFFFFFFFF  }
0x96: {  	s16 =	sld [smem:$0x12];
	(tm) =	ssettm $0x1  }
0x97: {  	s17 =	sld [smem:$0x3FFB];
	_ =	sdelay $0x3  }
0x98: {  	_ =	strace s17  }
0x99: {  	s4 =	sld [smem:$0x3FFC];
	_ =	sdelay $0x3  }
0x9a: {  	_ =	strace s4  }
0x9b: {  	s4 =	sld [smem:$0x3FFD];
	_ =	sdelay $0x3  }
0x9c: {  	_ =	strace s4  }
0x9d: {  	_ =	strace $0x8FFFFFFF  }
0x9e: {  	s18 =	sld [smem:$0x3FDB];
	_ =	sdelay $0x1  }
0x9f: {  	s19 =	simm.s32 $_scs_section_size  }
0xa0: {  	s6 =	simm.s32 $_size__tile_overlayer_lowered;
	s7 =	simm.s32 $_tile_overlayer_lowered  }
0xa1: {  	s22 =	simm.s32 $0x1BFF;
	s21 =	sshll.u32 s7, $0x1;
	s4 =	sadd.s32 s19, s18  }
0xa2: {  	s8 =	simm.s32 $0x0;
	s20 =	sshll.u32 s6, $0x1;
	s6 =	sadd.s32 s21, s4  }
0xa3: {  	[timem:s8], [sflag:s22] =	dma.local [hbm:s6], s20  }
0xa4: {  	_ =	swait.ge [sflag:s22], s20  }
0xa5: {  	s5 =	ssub.s32 $0x0, s20;
	[sflag:s22] =	ssyncset.done $0x0  }
0xa6: {  	[sflag:s22] =	ssyncadd.s32 s5;
	_ =	sdelay $0x1  }
0xa7: {  	s23 =	simm.s32 $0x1B8B  }
0xa8: {  	_ =	swait.ge [sflag:s23], $0x1  }
0xa9: {  	[sflag:s23] =	ssyncset.done $0x0  }
0xaa: {  	s25 =	simm.s32 $0x1B8E;
	s24 =	sld [smem:$0x3FFE];
	[sflag:s23] =	ssyncadd.s32 $0xFFFFFFFF  }
0xab: {  	s26 =	simm.s32 $execute0_lowered;
	[smem:$0x3FD2] =	sst s25  }
0xac: {  	s6 =	sshll.u32 s26, $0x1;
	_ =	strace $0x80000046;
	[dreg:$0x1] =	wrdreg $0xFFFFFFFF  }
0xad: {  	s28 =	simm.s32 $_size_execute0_lowered;
	s4 =	sadd.s32 s4, s6;
	[dreg:$0x0] =	wrdreg $0x0  }
0xae: {  	s6 =	sshll.u32 s28, $0x1;
	[dreg:$0x2] =	wrdreg s4  }
0xaf: {  	[dreg:$0x3] =	wrdreg s6  }
0xb0: {  	[dreg:$0x4] =	wrdreg $0xC0  }
0xb1: {  	_ =	task [dreg:s8], $0x5FFFF  }
0xb2: {  	[dreg:$0x1] =	wrdreg $0xFFFFFFFF  }
0xb3: {  	[dreg:$0x0] =	wrdreg $0x60  }
0xb4: {  	[dreg:$0x2] =	wrdreg s15  }
0xb5: {  	[dreg:$0x3] =	wrdreg s16  }
0xb6: {  	[dreg:$0x4] =	wrdreg s24  }
0xb7: {  	[dreg:$0x5] =	wrdreg $0x9  }
0xb8: {  	_ =	task.clear_ibuf [dreg:s8], $0x6FFFF;
	_ =	strace $0x90000046  }
0xb9: {  	s29 =	simm.s32 $0x9;
	_ =	strace $0x80000048  }
0xba: {  	_ =	swait.ge [sflag:s29], $0x1  }
0xbb: {  	[sflag:s29] =	ssyncadd.s32 $0xFFFFFFFF  }
0xbc: {  	_ =	strace $0x90000048  }
0xbd: {  	_ =	sfence  }
0xbe: {  	s30 =	sld [smem:$0x0];
	_ =	sdelay $0x2  }
0xbf: {  	s31 =	sshll.u32 s1, $0xD;
	s1 =	sshrl.u32 s1, $0x2  }
0xc0: {  	s3 =	sand.u32 $0x4000, s31;
	s1 =	sadd.s32 s1, s30  }
0xc1: {  	s0 =	sor.u32 s3, s0;
	s1 =	sshll.u32 s1, $0x11  }
0xc2: {  	s0 =	sor.u32 s1, s0  }
0xc3: {  	s0 =	sadd.s32 $0x8F2B, s0  }
0xc4: {  	[sflag:s0] =	ssyncadd.remote.s32 $0x1  }
0xc5: {  	_ =	sfence.sel $0xFFFF  }
0xc6: {  	[dreg:$0x0] =	wrdreg $0xFFFFFFFF;
	(pc) =	sbr.abs _section_cstart, $3  }
0xc7: {  	[dreg:$0x1] =	wrdreg $0xFFFFFFFF  }
0xc8: {  	_ =	task.clear_ibuf [dreg:s8], $0x2FFFF;
	_ =	strace $0x9FFFFFFF  }
0xc9: {  	(tm) =	ssettm $0x7FFFFFFF  }
tec
execute0_lowered:
.L_overlay_start_1:
0x0: {  	(tag) =	ssettag $0x1  }
0x1: {  	s1 =	stileid.u32  }
0x2: {  	p0 =	sgt.u32 s1, $0x7  }
.Ltmp0:
0x3: {  	s2 =	rddreg [dreg:$0x0];
	(pc) =	sbr.rel @p0 .LBB2_4-.Ltmp0, $4  }
0x4: {  	s4 =	rddreg [dreg:$0x1]  }
0x5: {  	s10 =	rddreg [dreg:$0x2];
	s3 =	simm.s32 $0x0  }
0x6: {  	[smem:$0x7FF] =	sst s3  }
0x7: {  	s0 =	rddreg [dreg:$0x3];
	_ =	strace $0x80000047  }
0x8: {  	s5 =	srdreg.scid  }
0x9: {  	s30 =	sshll.u32 s1, $0x1;
	s8 =	sand.u32 $0x1, s5  }
0xa: {  	s11 =	sor.u32 s8, s30  }
0xb: {  	s5 =	sadd.s32 s4, s11;
	s4 =	simm.s32 $0x2  }
0xc: {  	[tilespmem:s3], [sflag:$0x2] =	stream.linear.gather [hbm4b:s5+s3], $0x8, $0x38;
	[tilespmem:$0x1080] =	vst v63  }
0xd: {  	_ =	swait.ge [sflag:s4], $0x8  }
0xe: {  	[sflag:s4] =	ssyncset.done $0x0  }
0xf: {  	[sflag:s4] =	ssyncadd.s32 $0xFFFFFFF8  }
0x10: {  	v0 =	vld.msk [tilespmem:$0x0], $0xff;
	_ =	sdelay $0x4  }
0x11: {  	v1 =	vshll.u32 v0, $0x2  }
0x12: {  	v2 =	vlaneseq.u32;
	v3 =	vand.u32 $0x7, v0;
	v1 =	vand.u32 $0xFFFFFFE0, v1  }
0x13: {  	v0 =	vand.u32 $0x7, v2;
	v2 =	vshrl.u32 v2, $0x3;
	v3 =	vor.u32 v3, v1  }
0x14: {  	v1 =	vmul.u32 $0x8, v2;
	v2 =	vperm.xlane v3, v0;
	_ =	sdelay $0x1  }
0x15: {  	v2 =	vadd.s32 v1, v2;
	_ =	sdelay $0x1  }
0x16: {  	s12 =	ssub.s32 $0x2, s8  }
0x17: {  	s6 =	sadd.s32 $0x100, s2;
	s7 =	simm.s32 $0x80;
	s13 =	sshrl.u32 s12, $0x1  }
0x18: {  	vm0 =	vmmov $0xffff;
	s9 =	simm.s32 $0x1;
	s11 =	sshll.u32 s11, $0x9;
	s31 =	ssub.s32 s12, s13  }
0x19: {  	[tilespmem:s7], [sflag:$0x1] =	stream.indirect_vreg.gather [hbm4b:s2+s3], $0x80, v2, vm0, $0xb8;
	[tilespmem:$0x1080] =	vst v63  }
0x1a: {  	s8 =	simm.s32 $0x880;
	s10 =	sadd.s32 s11, s10;
	s11 =	smax.u32 s31, $0x1  }
0x1b: {  	[tilespmem:s8], [sflag:$0x1] =	stream.indirect_vreg.gather [hbm4b:s6+s3], $0x80, v2, vm0, $0xb8;
	[tilespmem:$0x1080] =	vst v63  }
0x1c: {  	p0 =	sne.s32 s11, $0x1;
	_ =	swait.ge [sflag:s9], $0x1000  }
.Ltmp1:
0x1d: {  	[sflag:s9] =	ssyncset.done $0x0;
	(pc) =	sbr.rel @!p0 .LBB2_3-.Ltmp1, $4  }
0x1e: {  	s10 =	sadd.s32 $0x2000, s10;
	[sflag:s9] =	ssyncadd.s32 $0xFFFFF000  }
0x1f: {  	[hbm4b:s10+s3] =	stream.linear.scatter [tilespmem:s7], [sflag:$0x2], $0x1000, $0x38;
	[tilespmem:$0x1080] =	vst v63  }
0x20: {  	_ =	swait.ge [sflag:s4], $0x1000  }
0x21: {  	s11 =	sadd.s32 $0xFFFFFFFF, s11;
	[sflag:s4] =	ssyncset.done $0x0  }
.LBB2_2:
0x22: {  	p0 =	sne.s32 s11, $0x1;
	s11 =	sadd.s32 $0xFFFFFFFF, s11;
	[sflag:s4] =	ssyncadd.s32 $0xFFFFF000  }
0x23: {  	[tilespmem:s3], [sflag:$0x2] =	stream.linear.gather [hbm4b:s5+s3], $0x8, $0x38;
	[tilespmem:$0x1080] =	vst v63  }
0x24: {  	_ =	swait.ge [sflag:s4], $0x8  }
0x25: {  	[sflag:s4] =	ssyncset.done $0x0  }
0x26: {  	[sflag:s4] =	ssyncadd.s32 $0xFFFFFFF8  }
0x27: {  	v2 =	vld.msk [tilespmem:$0x0], $0xff;
	_ =	sdelay $0x4  }
0x28: {  	v3 =	vshll.u32 v2, $0x2  }
0x29: {  	v2 =	vand.u32 $0x7, v2;
	v3 =	vand.u32 $0xFFFFFFE0, v3  }
0x2a: {  	v2 =	vor.u32 v2, v3  }
0x2b: {  	v2 =	vperm.xlane v2, v0;
	_ =	sdelay $0x1  }
0x2c: {  	v2 =	vadd.s32 v1, v2;
	_ =	sdelay $0x4  }
0x2d: {  	[tilespmem:s7], [sflag:$0x1] =	stream.indirect_vreg.gather [hbm4b:s2+s3], $0x80, v2, vm0, $0xb8;
	[tilespmem:$0x1080] =	vst v63  }
0x2e: {  	_ = 	snop  }
0x2f: {  	[tilespmem:s8], [sflag:$0x1] =	stream.indirect_vreg.gather [hbm4b:s6+s3], $0x80, v2, vm0, $0xb8;
	[tilespmem:$0x1080] =	vst v63  }
0x30: {  	_ =	swait.ge [sflag:s9], $0x1000  }
.Ltmp2:
0x31: {  	[sflag:s9] =	ssyncset.done $0x0;
	(pc) =	sbr.rel @p0 .LBB2_2-.Ltmp2, $4  }
0x32: {  	[sflag:s9] =	ssyncadd.s32 $0xFFFFF000  }
0x33: {  	[hbm4b:s10+s3] =	stream.linear.scatter [tilespmem:s7], [sflag:$0x2], $0x1000, $0x38;
	[tilespmem:$0x1080] =	vst v63  }
0x34: {  	_ =	swait.ge [sflag:s4], $0x1000  }
0x35: {  	[sflag:s4] =	ssyncset.done $0x0  }
.LBB2_3:
0x36: {  	[sflag:s4] =	ssyncadd.s32 $0xFFFFF000  }
.LBB2_4:
0x37: {  	_ =	sfence.sel $0x180000  }
0x38: {  	[bflag:$0x0] =	sbarrier.arrive $0xFFFF  }
0x39: {  	p0 =	sne.s32 s1, $0x0;
	_ =	strace $0x90000047  }
0x3a: {  	s0 =	sadd.s32 @!p0 $0x100000, s0;
	[bflag:$0x2] =	sbarrier.arrive $0xFFFF  }
0x3b: {  	[sflag:s0] =	ssyncadd.tile.s32 @!p0 $0x1;
	_ =	shalt  }
.Lfunc_end2:
_tile_overlayer_lowered:
.L_overlay_start_2:
0x3c: {  	(tag) =	ssettag $0x2  }
0x3d: {  	s0 =	rddreg [dreg:$0x0];
	s2 =	stileid.u32  }
0x3e: {  	s1 =	rddreg [dreg:$0x1];
	p0 =	sne.s32 s2, $0x0  }
0x3f: {  	s3 =	rddreg [dreg:$0x2];
	[bflag:$0x3] =	sbarrier.arrive $0xFFFF;
	s2 =	simm.s32 @!p0 $0x1C02  }
0x40: {  	[timem:s3], [sflag:s2] =	dma.local @!p0 [hbm:s0], s1  }
0x41: {  	s0 =	simm.s32 @!p0 $0x2  }
0x42: {  	_ =	swait.ge @!p0 [sflag:s0], s1  }
0x43: {  	s1 =	ssub.s32 @!p0 $0x0, s1;
	[sflag:s0] =	ssyncset.done @!p0 $0x0  }
0x44: {  	[sflag:s0] =	ssyncadd.s32 @!p0 s1  }
0x45: {  	[bflag:$0x3] =	sbarrier.arrive $0xFFFF  }
0x46: {  	_ =	shalt  }

</sc_bundles>
